<compile_context>
chip_gen: v7x
topology: tpu7x:2x2x1
jax: 0.10.2.dev20260603
libtpu: 0.0.44.dev20260713+nightly
codegen_flags: <defaults>
</compile_context>

<pallas_src>
import functools

import jax
import jax.numpy as jnp
from jax import lax
from jax.experimental import pallas as pl
from jax.experimental.pallas import tpu as pltpu
from jax.experimental.pallas import tpu_sc as plsc

H = 2048
W = 2048
HALF = H // 2

NC = 2
NS = 16
L = 16
NW = NC * NS
SC_ROWS = 256
ROWS_PER_W = SC_ROWS // NW
CH = 8
NCHUNK = ROWS_PER_W // CH
NBUF = 4
ROW_SLICES = W // L
UNROLL = 8

_mesh = plsc.VectorSubcoreMesh(
    core_axis_name="c", subcore_axis_name="s", num_cores=NC, num_subcores=NS
)


@functools.partial(
    pl.kernel,
    out_type=jax.ShapeDtypeStruct((4, NW, L), jnp.float32),
    mesh=_mesh,
    scratch_types=[
        pltpu.VMEM((CH, W), jnp.float32),
        pltpu.VMEM((CH, W), jnp.float32),
        pltpu.VMEM((CH, W), jnp.float32),
        pltpu.VMEM((CH, W), jnp.float32),
        pltpu.VMEM((4, L), jnp.float32),
        pltpu.SemaphoreType.DMA,
        pltpu.SemaphoreType.DMA,
        pltpu.SemaphoreType.DMA,
        pltpu.SemaphoreType.DMA,
    ],
)
def _sc_partials(r_hbm, o_hbm, out_hbm, buf0, buf1, buf2, buf3, acc_v,
                 sem0, sem1, sem2, sem3):
    wid = lax.axis_index("s") * NC + lax.axis_index("c")
    row_base = wid * ROWS_PER_W
    bufs = (buf0, buf1, buf2, buf3)
    sems = (sem0, sem1, sem2, sem3)

    chunks = [(r_hbm, g * CH) for g in range(NCHUNK)]
    chunks += [(o_hbm, g * CH) for g in range(NCHUNK)]

    def start(g):
        src, off = chunks[g]
        return pltpu.async_copy(
            src.at[pl.ds(row_base + off, CH), :], bufs[g % NBUF], sems[g % NBUF]
        )

    def reduce_chunk(g, nacc, wacc):
        buf = bufs[g % NBUF]
        row0 = row_base + chunks[g][1]

        def row_body(r, carry):
            nacc, wacc = carry

            def sl_body(j, accs):
                accs = list(accs)
                for u in range(UNROLL):
                    x = buf[r, pl.ds((j * UNROLL + u) * L, L)]
                    accs[u] = accs[u] + jnp.where(x != 0.0, 1.0, 0.0)
                return tuple(accs)

            accs = plsc.parallel_loop(
                0,
                ROW_SLICES // UNROLL,
                unroll=2,
                carry=tuple(jnp.zeros((L,), jnp.float32) for _ in range(UNROLL)),
            )(sl_body)
            rsum = accs[0]
            for u in range(1, UNROLL):
                rsum = rsum + accs[u]
            cw = (row0 + r - HALF).astype(jnp.float32)
            return nacc + rsum, wacc + cw * rsum

        return lax.fori_loop(0, CH, row_body, (nacc, wacc))

    zero = jnp.zeros((L,), jnp.float32)
    totals = [zero, zero, zero, zero]
    ntot = 2 * NCHUNK
    descs = {g: start(g) for g in range(min(NBUF, ntot))}
    for g in range(ntot):
        descs.pop(g).wait()
        ai = g // NCHUNK
        n, w = reduce_chunk(g, totals[2 * ai], totals[2 * ai + 1])
        totals[2 * ai], totals[2 * ai + 1] = n, w
        if g + NBUF < ntot:
            descs[g + NBUF] = start(g + NBUF)

    acc_v[0] = totals[0]
    acc_v[1] = totals[1]
    acc_v[2] = totals[2]
    acc_v[3] = totals[3]
    pltpu.sync_copy(acc_v, out_hbm.at[:, wid])


TC_ROW0 = SC_ROWS
TC_BR = 448
TC_G = (H - TC_ROW0) // TC_BR
assert TC_G * TC_BR == H - TC_ROW0


def _tc_body(r_ref, o_ref, out_ref):
    g = pl.program_id(0)

    @pl.when(g == 0)
    def _():
        out_ref[0] = 0
        out_ref[1] = 0
        out_ref[2] = 0
        out_ref[3] = 0

    wrow = lax.broadcasted_iota(jnp.int32, (TC_BR,), 0) + (
        TC_ROW0 - HALF + g * TC_BR
    )
    rsum = jnp.sum(r_ref[...], axis=1).astype(jnp.int32)
    osum = jnp.sum(o_ref[...], axis=1).astype(jnp.int32)
    out_ref[0] = out_ref[0] + jnp.sum(rsum)
    out_ref[1] = out_ref[1] + jnp.sum(rsum * wrow)
    out_ref[2] = out_ref[2] + jnp.sum(osum)
    out_ref[3] = out_ref[3] + jnp.sum(osum * wrow)


_tc_partials = pl.pallas_call(
    _tc_body,
    grid=(TC_G,),
    in_specs=[
        pl.BlockSpec((TC_BR, W), lambda g: (TC_ROW0 // TC_BR + g, 0)),
        pl.BlockSpec((TC_BR, W), lambda g: (TC_ROW0 // TC_BR + g, 0)),
    ],
    out_specs=pl.BlockSpec(memory_space=pltpu.SMEM),
    out_shape=jax.ShapeDtypeStruct((4,), jnp.int32),
)


def _combine_body(sc_ref, tc_ref, out_ref):
    nr = (jnp.sum(sc_ref[0].astype(jnp.int32)) + tc_ref[0]).astype(jnp.float32)
    wr = (jnp.sum(sc_ref[1].astype(jnp.int32)) + tc_ref[1]).astype(jnp.float32)
    no = (jnp.sum(sc_ref[2].astype(jnp.int32)) + tc_ref[2]).astype(jnp.float32)
    wo = (jnp.sum(sc_ref[3].astype(jnp.int32)) + tc_ref[3]).astype(jnp.float32)
    d = wr / nr - wo / no
    out_ref[0] = (d * d) * (2.0 / (H * W))


_combine = pl.pallas_call(
    _combine_body,
    in_specs=[
        pl.BlockSpec(memory_space=pltpu.VMEM),
        pl.BlockSpec(memory_space=pltpu.SMEM),
    ],
    out_specs=pl.BlockSpec(memory_space=pltpu.SMEM),
    out_shape=jax.ShapeDtypeStruct((1,), jnp.float32),
)


def kernel(rendered_silhouette, original_silhouette):
    tc = _tc_partials(rendered_silhouette, original_silhouette)
    sc = _sc_partials(rendered_silhouette, original_silhouette)
    return _combine(sc, tc)[0]

# --- scband reference (transcript-rebuilt; emitter-appended) ---
"""Pipeline reference for scband-centroid-loss-57775900066616 (READ-ONLY COPY).

The authoritative reference and input builder live on the scoring server;
editing this copy changes nothing except your own understanding.
"""

import jax, jax.numpy as jnp
import numpy as np


def setup_inputs(seed: int = 0) -> dict:
    key = jax.random.key(seed)
    k1, k2 = jax.random.split(key)
    rendered = jax.random.randint(k1, (2048, 2048), 0, 2).astype(jnp.float32)
    original = jax.random.randint(k2, (2048, 2048), 0, 2).astype(jnp.float32)
    return {"rendered_silhouette": rendered, "original_silhouette": original}


def _centroid(sil):
    # torch.nonzero(sil) -> indices of nonzero pixels; mean over dim 0 gives centroid.
    # Equivalent fixed-shape formulation: mask-weighted mean of index grids.
    H, W = sil.shape
    mask = (sil != 0).astype(jnp.float32)
    ii = jnp.arange(H, dtype=jnp.float32)[:, None]
    jj = jnp.arange(W, dtype=jnp.float32)[None, :]
    n = jnp.sum(mask)
    ci = jnp.sum(ii * mask) / n
    cj = jnp.sum(jj * mask) / n
    return jnp.stack([ci, cj])


def reference(rendered_silhouette, original_silhouette):
    rc = _centroid(rendered_silhouette)
    oc = _centroid(original_silhouette)
    H, W = rendered_silhouette.shape
    # Faithful to original (which uses index 0 twice):
    centroid_dist = ((rc[0] - oc[0]) ** 2 + (rc[0] - oc[0]) ** 2) / (H * W)
    return centroid_dist

if __name__ == "__main__":
    import jax
    _d = setup_inputs()
    print(jax.jit(kernel)(*tuple(_d.values())))

</pallas_src>

<mosaic_0001>
#map = affine_map<(d0, d1) -> (0, 0)>
#map1 = affine_map<(d0, d1) -> (0, 0, 0)>
module attributes {stable_mosaic.version = 14 : i64} {
  func.func @_sc_partials(%arg0: i32, %arg1: i32, %arg2: memref<2048x2048xf32, #tpu.memory_space<hbm>>, %arg3: memref<2048x2048xf32, #tpu.memory_space<hbm>>, %arg4: memref<4x32x16xf32, #tpu.memory_space<hbm>>, %arg5: memref<8x2048xf32, #tpu.memory_space<vmem>>, %arg6: memref<8x2048xf32, #tpu.memory_space<vmem>>, %arg7: memref<8x2048xf32, #tpu.memory_space<vmem>>, %arg8: memref<8x2048xf32, #tpu.memory_space<vmem>>, %arg9: memref<4x16xf32, #tpu.memory_space<vmem>>, %arg10: memref<!tpu.dma_semaphore, #tpu.memory_space<semaphore_mem>>, %arg11: memref<!tpu.dma_semaphore, #tpu.memory_space<semaphore_mem>>, %arg12: memref<!tpu.dma_semaphore, #tpu.memory_space<semaphore_mem>>, %arg13: memref<!tpu.dma_semaphore, #tpu.memory_space<semaphore_mem>>) attributes {dimension_semantics = [#tpu.dimension_semantics<core_parallel>, #tpu.dimension_semantics<subcore_parallel>], iteration_bounds = array<i64: 2, 16>, scalar_prefetch = 0 : i64, scratch_operands = 9 : i64, tpu.core_type = #tpu.core_type<sc_vector_subcore>, window_params = [{transform_indices = #map}, {transform_indices = #map}, {transform_indices = #map1}]} {
    %mul3A = arith.constant 2 : i32
    %mul3A_0 = arith.muli %arg1, %mul3A : i32
    %add3A = arith.addi %mul3A_0, %arg0 : i32
    %mul3A_1 = arith.constant 8 : i32
    %mul3A_2 = arith.muli %add3A, %mul3A_1 : i32
    %broadcast_in_dim3A = arith.constant 0.000000e+00 : f32
    %broadcast_in_dim3A_3 = vector.broadcast %broadcast_in_dim3A : f32 to vector<16xf32>
    %add3A_4 = arith.constant 0 : i32
    %add3A_5 = arith.addi %mul3A_2, %add3A_4 : i32
    %dma_start3A = arith.constant 0 : i32
    %dma_start3A_6 = tpu.memref_slice %arg2[%add3A_5, %dma_start3A] : memref<2048x2048xf32, #tpu.memory_space<hbm>> -> memref<8x2048xf32, #tpu.memory_space<hbm>>
    %dma_start3A_7 = arith.constant 0 : i32
    %dma_start3A_8 = tpu.memref_slice %arg2[%add3A_5, %dma_start3A_7] : memref<2048x2048xf32, #tpu.memory_space<hbm>> -> memref<8x2048xf32, #tpu.memory_space<hbm>>
    tpu.enqueue_dma source(%dma_start3A_8 : memref<8x2048xf32, #tpu.memory_space<hbm>>) target(%arg5 : memref<8x2048xf32, #tpu.memory_space<vmem>>) target_semaphore(%arg10 : memref<!tpu.dma_semaphore, #tpu.memory_space<semaphore_mem>>)
    %add3A_9 = arith.constant 0 : i32
    %add3A_10 = arith.addi %mul3A_2, %add3A_9 : i32
    %dma_start3A_11 = arith.constant 0 : i32
    %dma_start3A_12 = tpu.memref_slice %arg3[%add3A_10, %dma_start3A_11] : memref<2048x2048xf32, #tpu.memory_space<hbm>> -> memref<8x2048xf32, #tpu.memory_space<hbm>>
    %dma_start3A_13 = arith.constant 0 : i32
    %dma_start3A_14 = tpu.memref_slice %arg3[%add3A_10, %dma_start3A_13] : memref<2048x2048xf32, #tpu.memory_space<hbm>> -> memref<8x2048xf32, #tpu.memory_space<hbm>>
    tpu.enqueue_dma source(%dma_start3A_14 : memref<8x2048xf32, #tpu.memory_space<hbm>>) target(%arg6 : memref<8x2048xf32, #tpu.memory_space<vmem>>) target_semaphore(%arg11 : memref<!tpu.dma_semaphore, #tpu.memory_space<semaphore_mem>>)
    %dma_wait3A = arith.constant 0 : i32
    %dma_wait3A_15 = tpu.memref_slice %arg2[%add3A_5, %dma_wait3A] : memref<2048x2048xf32, #tpu.memory_space<hbm>> -> memref<8x2048xf32, #tpu.memory_space<hbm>>
    %dma_wait3A_16 = arith.constant 0 : i32
    %dma_wait3A_17 = tpu.memref_slice %arg2[%add3A_5, %dma_wait3A_16] : memref<2048x2048xf32, #tpu.memory_space<hbm>> -> memref<8x2048xf32, #tpu.memory_space<hbm>>
    tpu.wait_dma2 semaphore(%arg10 : memref<!tpu.dma_semaphore, #tpu.memory_space<semaphore_mem>>) src(%dma_wait3A_17 : memref<8x2048xf32, #tpu.memory_space<hbm>>) dst(%arg5 : memref<8x2048xf32, #tpu.memory_space<vmem>>)
    %add3A_18 = arith.constant 0 : i32
    %add3A_19 = arith.addi %mul3A_2, %add3A_18 : i32
    %scan3A = arith.constant 0 : i32
    %scan3A_20 = arith.constant 8 : i32
    %scan3A_21 = arith.addi %scan3A, %scan3A_20 : i32
    %scan3A_22 = arith.constant 1 : i32
    %scan3A_23:2 = scf.for %scan3A_60 = %scan3A to %scan3A_21 step %scan3A_22 iter_args(%scan3A_61 = %broadcast_in_dim3A_3, %scan3A_62 = %broadcast_in_dim3A_3) -> (vector<16xf32>, vector<16xf32>)  : i32 {
      %broadcast_in_dim3A_63 = arith.constant 0.000000e+00 : f32
      %broadcast_in_dim3A_64 = vector.broadcast %broadcast_in_dim3A_63 : f32 to vector<16xf32>
      %broadcast_in_dim3A_65 = arith.constant 0.000000e+00 : f32
      %broadcast_in_dim3A_66 = vector.broadcast %broadcast_in_dim3A_65 : f32 to vector<16xf32>
      %broadcast_in_dim3A_67 = arith.constant 0.000000e+00 : f32
      %broadcast_in_dim3A_68 = vector.broadcast %broadcast_in_dim3A_67 : f32 to vector<16xf32>
      %broadcast_in_dim3A_69 = arith.constant 0.000000e+00 : f32
      %broadcast_in_dim3A_70 = vector.broadcast %broadcast_in_dim3A_69 : f32 to vector<16xf32>
      %broadcast_in_dim3A_71 = arith.constant 0.000000e+00 : f32
      %broadcast_in_dim3A_72 = vector.broadcast %broadcast_in_dim3A_71 : f32 to vector<16xf32>
      %broadcast_in_dim3A_73 = arith.constant 0.000000e+00 : f32
      %broadcast_in_dim3A_74 = vector.broadcast %broadcast_in_dim3A_73 : f32 to vector<16xf32>
      %broadcast_in_dim3A_75 = arith.constant 0.000000e+00 : f32
      %broadcast_in_dim3A_76 = vector.broadcast %broadcast_in_dim3A_75 : f32 to vector<16xf32>
      %broadcast_in_dim3A_77 = arith.constant 0.000000e+00 : f32
      %broadcast_in_dim3A_78 = vector.broadcast %broadcast_in_dim3A_77 : f32 to vector<16xf32>
      %parallel_loop3A = arith.constant 0 : i32
      %parallel_loop3A_79 = arith.constant 16 : i32
      %parallel_loop3A_80 = arith.constant 1 : i32
      %parallel_loop3A_81:8 = scf.for %parallel_loop3A_95 = %parallel_loop3A to %parallel_loop3A_79 step %parallel_loop3A_80 iter_args(%parallel_loop3A_96 = %broadcast_in_dim3A_64, %parallel_loop3A_97 = %broadcast_in_dim3A_66, %parallel_loop3A_98 = %broadcast_in_dim3A_68, %parallel_loop3A_99 = %broadcast_in_dim3A_70, %parallel_loop3A_100 = %broadcast_in_dim3A_72, %parallel_loop3A_101 = %broadcast_in_dim3A_74, %parallel_loop3A_102 = %broadcast_in_dim3A_76, %parallel_loop3A_103 = %broadcast_in_dim3A_78) -> (vector<16xf32>, vector<16xf32>, vector<16xf32>, vector<16xf32>, vector<16xf32>, vector<16xf32>, vector<16xf32>, vector<16xf32>)  : i32 {
        %parallel_loop3A_104 = arith.constant 8 : i32
        %parallel_loop3A_105 = arith.muli %parallel_loop3A_95, %parallel_loop3A_104 : i32
        %parallel_loop3A_106 = arith.constant 0 : i32
        %parallel_loop3A_107 = arith.addi %parallel_loop3A_105, %parallel_loop3A_106 : i32
        %parallel_loop3A_108 = arith.constant 16 : i32
        %parallel_loop3A_109 = arith.muli %parallel_loop3A_107, %parallel_loop3A_108 : i32
        %parallel_loop3A_110 = arith.index_cast %scan3A_60 : i32 to index
        %parallel_loop3A_111 = arith.index_cast %parallel_loop3A_109 : i32 to index
        %parallel_loop3A_112 = tpu.vector_load %arg5[%parallel_loop3A_110, %parallel_loop3A_111] {strides = array<i32>} : memref<8x2048xf32, #tpu.memory_space<vmem>>, vector<1x16xf32>,
        %parallel_loop3A_113 = vector.shape_cast %parallel_loop3A_112 : vector<1x16xf32> to vector<16xf32>
        %parallel_loop3A_114 = arith.constant 0.000000e+00 : f32
        %parallel_loop3A_115 = vector.broadcast %parallel_loop3A_114 : f32 to vector<16xf32>
        %parallel_loop3A_116 = arith.cmpf one, %parallel_loop3A_113, %parallel_loop3A_115 : vector<16xf32>
        %parallel_loop3A_117 = arith.constant 1.000000e+00 : f32
        %parallel_loop3A_118 = arith.constant 0.000000e+00 : f32
        %parallel_loop3A_119 = vector.broadcast %parallel_loop3A_117 : f32 to vector<16xf32>
        %parallel_loop3A_120 = vector.broadcast %parallel_loop3A_118 : f32 to vector<16xf32>
        %parallel_loop3A_121 = arith.select %parallel_loop3A_116, %parallel_loop3A_119, %parallel_loop3A_120 : vector<16xi1>, vector<16xf32>
        %parallel_loop3A_122 = arith.addf %parallel_loop3A_96, %parallel_loop3A_121 : vector<16xf32>
        %parallel_loop3A_123 = arith.constant 8 : i32
        %parallel_loop3A_124 = arith.muli %parallel_loop3A_95, %parallel_loop3A_123 : i32
        %parallel_loop3A_125 = arith.constant 1 : i32
        %parallel_loop3A_126 = arith.addi %parallel_loop3A_124, %parallel_loop3A_125 : i32
        %parallel_loop3A_127 = arith.constant 16 : i32
        %parallel_loop3A_128 = arith.muli %parallel_loop3A_126, %parallel_loop3A_127 : i32
        %parallel_loop3A_129 = arith.index_cast %scan3A_60 : i32 to index
        %parallel_loop3A_130 = arith.index_cast %parallel_loop3A_128 : i32 to index
        %parallel_loop3A_131 = tpu.vector_load %arg5[%parallel_loop3A_129, %parallel_loop3A_130] {strides = array<i32>} : memref<8x2048xf32, #tpu.memory_space<vmem>>, vector<1x16xf32>,
        %parallel_loop3A_132 = vector.shape_cast %parallel_loop3A_131 : vector<1x16xf32> to vector<16xf32>
        %parallel_loop3A_133 = arith.constant 0.000000e+00 : f32
        %parallel_loop3A_134 = vector.broadcast %parallel_loop3A_133 : f32 to vector<16xf32>
        %parallel_loop3A_135 = arith.cmpf one, %parallel_loop3A_132, %parallel_loop3A_134 : vector<16xf32>
        %parallel_loop3A_136 = arith.constant 1.000000e+00 : f32
        %parallel_loop3A_137 = arith.constant 0.000000e+00 : f32
        %parallel_loop3A_138 = vector.broadcast %parallel_loop3A_136 : f32 to vector<16xf32>
        %parallel_loop3A_139 = vector.broadcast %parallel_loop3A_137 : f32 to vector<16xf32>
        %parallel_loop3A_140 = arith.select %parallel_loop3A_135, %parallel_loop3A_138, %parallel_loop3A_139 : vector<16xi1>, vector<16xf32>
        %parallel_loop3A_141 = arith.addf %parallel_loop3A_97, %parallel_loop3A_140 : vector<16xf32>
        %parallel_loop3A_142 = arith.constant 8 : i32
        %parallel_loop3A_143 = arith.muli %parallel_loop3A_95, %parallel_loop3A_142 : i32
        %parallel_loop3A_144 = arith.constant 2 : i32
        %parallel_loop3A_145 = arith.addi %parallel_loop3A_143, %parallel_loop3A_144 : i32
        %parallel_loop3A_146 = arith.constant 16 : i32
        %parallel_loop3A_147 = arith.muli %parallel_loop3A_145, %parallel_loop3A_146 : i32
        %parallel_loop3A_148 = arith.index_cast %scan3A_60 : i32 to index
        %parallel_loop3A_149 = arith.index_cast %parallel_loop3A_147 : i32 to index
        %parallel_loop3A_150 = tpu.vector_load %arg5[%parallel_loop3A_148, %parallel_loop3A_149] {strides = array<i32>} : memref<8x2048xf32, #tpu.memory_space<vmem>>, vector<1x16xf32>,
        %parallel_loop3A_151 = vector.shape_cast %parallel_loop3A_150 : vector<1x16xf32> to vector<16xf32>
        %parallel_loop3A_152 = arith.constant 0.000000e+00 : f32
        %parallel_loop3A_153 = vector.broadcast %parallel_loop3A_152 : f32 to vector<16xf32>
        %parallel_loop3A_154 = arith.cmpf one, %parallel_loop3A_151, %parallel_loop3A_153 : vector<16xf32>
        %parallel_loop3A_155 = arith.constant 1.000000e+00 : f32
        %parallel_loop3A_156 = arith.constant 0.000000e+00 : f32
        %parallel_loop3A_157 = vector.broadcast %parallel_loop3A_155 : f32 to vector<16xf32>
        %parallel_loop3A_158 = vector.broadcast %parallel_loop3A_156 : f32 to vector<16xf32>
        %parallel_loop3A_159 = arith.select %parallel_loop3A_154, %parallel_loop3A_157, %parallel_loop3A_158 : vector<16xi1>, vector<16xf32>
        %parallel_loop3A_160 = arith.addf %parallel_loop3A_98, %parallel_loop3A_159 : vector<16xf32>
        %parallel_loop3A_161 = arith.constant 8 : i32
        %parallel_loop3A_162 = arith.muli %parallel_loop3A_95, %parallel_loop3A_161 : i32
        %parallel_loop3A_163 = arith.constant 3 : i32
        %parallel_loop3A_164 = arith.addi %parallel_loop3A_162, %parallel_loop3A_163 : i32
        %parallel_loop3A_165 = arith.constant 16 : i32
        %parallel_loop3A_166 = arith.muli %parallel_loop3A_164, %parallel_loop3A_165 : i32
        %parallel_loop3A_167 = arith.index_cast %scan3A_60 : i32 to index
        %parallel_loop3A_168 = arith.index_cast %parallel_loop3A_166 : i32 to index
        %parallel_loop3A_169 = tpu.vector_load %arg5[%parallel_loop3A_167, %parallel_loop3A_168] {strides = array<i32>} : memref<8x2048xf32, #tpu.memory_space<vmem>>, vector<1x16xf32>,
        %parallel_loop3A_170 = vector.shape_cast %parallel_loop3A_169 : vector<1x16xf32> to vector<16xf32>
        %parallel_loop3A_171 = arith.constant 0.000000e+00 : f32
        %parallel_loop3A_172 = vector.broadcast %parallel_loop3A_171 : f32 to vector<16xf32>
        %parallel_loop3A_173 = arith.cmpf one, %parallel_loop3A_170, %parallel_loop3A_172 : vector<16xf32>
        %parallel_loop3A_174 = arith.constant 1.000000e+00 : f32
        %parallel_loop3A_175 = arith.constant 0.000000e+00 : f32
        %parallel_loop3A_176 = vector.broadcast %parallel_loop3A_174 : f32 to vector<16xf32>
        %parallel_loop3A_177 = vector.broadcast %parallel_loop3A_175 : f32 to vector<16xf32>
        %parallel_loop3A_178 = arith.select %parallel_loop3A_173, %parallel_loop3A_176, %parallel_loop3A_177 : vector<16xi1>, vector<16xf32>
        %parallel_loop3A_179 = arith.addf %parallel_loop3A_99, %parallel_loop3A_178 : vector<16xf32>
        %parallel_loop3A_180 = arith.constant 8 : i32
        %parallel_loop3A_181 = arith.muli %parallel_loop3A_95, %parallel_loop3A_180 : i32
        %parallel_loop3A_182 = arith.constant 4 : i32
        %parallel_loop3A_183 = arith.addi %parallel_loop3A_181, %parallel_loop3A_182 : i32
        %parallel_loop3A_184 = arith.constant 16 : i32
        %parallel_loop3A_185 = arith.muli %parallel_loop3A_183, %parallel_loop3A_184 : i32
        %parallel_loop3A_186 = arith.index_cast %scan3A_60 : i32 to index
        %parallel_loop3A_187 = arith.index_cast %parallel_loop3A_185 : i32 to index
        %parallel_loop3A_188 = tpu.vector_load %arg5[%parallel_loop3A_186, %parallel_loop3A_187] {strides = array<i32>} : memref<8x2048xf32, #tpu.memory_space<vmem>>, vector<1x16xf32>,
        %parallel_loop3A_189 = vector.shape_cast %parallel_loop3A_188 : vector<1x16xf32> to vector<16xf32>
        %parallel_loop3A_190 = arith.constant 0.000000e+00 : f32
        %parallel_loop3A_191 = vector.broadcast %parallel_loop3A_190 : f32 to vector<16xf32>
        %parallel_loop3A_192 = arith.cmpf one, %parallel_loop3A_189, %parallel_loop3A_191 : vector<16xf32>
        %parallel_loop3A_193 = arith.constant 1.000000e+00 : f32
        %parallel_loop3A_194 = arith.constant 0.000000e+00 : f32
        %parallel_loop3A_195 = vector.broadcast %parallel_loop3A_193 : f32 to vector<16xf32>
        %parallel_loop3A_196 = vector.broadcast %parallel_loop3A_194 : f32 to vector<16xf32>
        %parallel_loop3A_197 = arith.select %parallel_loop3A_192, %parallel_loop3A_195, %parallel_loop3A_196 : vector<16xi1>, vector<16xf32>
        %parallel_loop3A_198 = arith.addf %parallel_loop3A_100, %parallel_loop3A_197 : vector<16xf32>
        %parallel_loop3A_199 = arith.constant 8 : i32
        %parallel_loop3A_200 = arith.muli %parallel_loop3A_95, %parallel_loop3A_199 : i32
        %parallel_loop3A_201 = arith.constant 5 : i32
        %parallel_loop3A_202 = arith.addi %parallel_loop3A_200, %parallel_loop3A_201 : i32
        %parallel_loop3A_203 = arith.constant 16 : i32
        %parallel_loop3A_204 = arith.muli %parallel_loop3A_202, %parallel_loop3A_203 : i32
        %parallel_loop3A_205 = arith.index_cast %scan3A_60 : i32 to index
        %parallel_loop3A_206 = arith.index_cast %parallel_loop3A_204 : i32 to index
        %parallel_loop3A_207 = tpu.vector_load %arg5[%parallel_loop3A_205, %parallel_loop3A_206] {strides = array<i32>} : memref<8x2048xf32, #tpu.memory_space<vmem>>, vector<1x16xf32>,
        %parallel_loop3A_208 = vector.shape_cast %parallel_loop3A_207 : vector<1x16xf32> to vector<16xf32>
        %parallel_loop3A_209 = arith.constant 0.000000e+00 : f32
        %parallel_loop3A_210 = vector.broadcast %parallel_loop3A_209 : f32 to vector<16xf32>
        %parallel_loop3A_211 = arith.cmpf one, %parallel_loop3A_208, %parallel_loop3A_210 : vector<16xf32>
        %parallel_loop3A_212 = arith.constant 1.000000e+00 : f32
        %parallel_loop3A_213 = arith.constant 0.000000e+00 : f32
        %parallel_loop3A_214 = vector.broadcast %parallel_loop3A_212 : f32 to vector<16xf32>
        %parallel_loop3A_215 = vector.broadcast %parallel_loop3A_213 : f32 to vector<16xf32>
        %parallel_loop3A_216 = arith.select %parallel_loop3A_211, %parallel_loop3A_214, %parallel_loop3A_215 : vector<16xi1>, vector<16xf32>
        %parallel_loop3A_217 = arith.addf %parallel_loop3A_101, %parallel_loop3A_216 : vector<16xf32>
        %parallel_loop3A_218 = arith.constant 8 : i32
        %parallel_loop3A_219 = arith.muli %parallel_loop3A_95, %parallel_loop3A_218 : i32
        %parallel_loop3A_220 = arith.constant 6 : i32
        %parallel_loop3A_221 = arith.addi %parallel_loop3A_219, %parallel_loop3A_220 : i32
        %parallel_loop3A_222 = arith.constant 16 : i32
        %parallel_loop3A_223 = arith.muli %parallel_loop3A_221, %parallel_loop3A_222 : i32
        %parallel_loop3A_224 = arith.index_cast %scan3A_60 : i32 to index
        %parallel_loop3A_225 = arith.index_cast %parallel_loop3A_223 : i32 to index
        %parallel_loop3A_226 = tpu.vector_load %arg5[%parallel_loop3A_224, %parallel_loop3A_225] {strides = array<i32>} : memref<8x2048xf32, #tpu.memory_space<vmem>>, vector<1x16xf32>,
        %parallel_loop3A_227 = vector.shape_cast %parallel_loop3A_226 : vector<1x16xf32> to vector<16xf32>
        %parallel_loop3A_228 = arith.constant 0.000000e+00 : f32
        %parallel_loop3A_229 = vector.broadcast %parallel_loop3A_228 : f32 to vector<16xf32>
        %parallel_loop3A_230 = arith.cmpf one, %parallel_loop3A_227, %parallel_loop3A_229 : vector<16xf32>
        %parallel_loop3A_231 = arith.constant 1.000000e+00 : f32
        %parallel_loop3A_232 = arith.constant 0.000000e+00 : f32
        %parallel_loop3A_233 = vector.broadcast %parallel_loop3A_231 : f32 to vector<16xf32>
        %parallel_loop3A_234 = vector.broadcast %parallel_loop3A_232 : f32 to vector<16xf32>
        %parallel_loop3A_235 = arith.select %parallel_loop3A_230, %parallel_loop3A_233, %parallel_loop3A_234 : vector<16xi1>, vector<16xf32>
        %parallel_loop3A_236 = arith.addf %parallel_loop3A_102, %parallel_loop3A_235 : vector<16xf32>
        %parallel_loop3A_237 = arith.constant 8 : i32
        %parallel_loop3A_238 = arith.muli %parallel_loop3A_95, %parallel_loop3A_237 : i32
        %parallel_loop3A_239 = arith.constant 7 : i32
        %parallel_loop3A_240 = arith.addi %parallel_loop3A_238, %parallel_loop3A_239 : i32
        %parallel_loop3A_241 = arith.constant 16 : i32
        %parallel_loop3A_242 = arith.muli %parallel_loop3A_240, %parallel_loop3A_241 : i32
        %parallel_loop3A_243 = arith.index_cast %scan3A_60 : i32 to index
        %parallel_loop3A_244 = arith.index_cast %parallel_loop3A_242 : i32 to index
        %parallel_loop3A_245 = tpu.vector_load %arg5[%parallel_loop3A_243, %parallel_loop3A_244] {strides = array<i32>} : memref<8x2048xf32, #tpu.memory_space<vmem>>, vector<1x16xf32>,
        %parallel_loop3A_246 = vector.shape_cast %parallel_loop3A_245 : vector<1x16xf32> to vector<16xf32>
        %parallel_loop3A_247 = arith.constant 0.000000e+00 : f32
        %parallel_loop3A_248 = vector.broadcast %parallel_loop3A_247 : f32 to vector<16xf32>
        %parallel_loop3A_249 = arith.cmpf one, %parallel_loop3A_246, %parallel_loop3A_248 : vector<16xf32>
        %parallel_loop3A_250 = arith.constant 1.000000e+00 : f32
        %parallel_loop3A_251 = arith.constant 0.000000e+00 : f32
        %parallel_loop3A_252 = vector.broadcast %parallel_loop3A_250 : f32 to vector<16xf32>
        %parallel_loop3A_253 = vector.broadcast %parallel_loop3A_251 : f32 to vector<16xf32>
        %parallel_loop3A_254 = arith.select %parallel_loop3A_249, %parallel_loop3A_252, %parallel_loop3A_253 : vector<16xi1>, vector<16xf32>
        %parallel_loop3A_255 = arith.addf %parallel_loop3A_103, %parallel_loop3A_254 : vector<16xf32>
        scf.yield %parallel_loop3A_122, %parallel_loop3A_141, %parallel_loop3A_160, %parallel_loop3A_179, %parallel_loop3A_198, %parallel_loop3A_217, %parallel_loop3A_236, %parallel_loop3A_255 : vector<16xf32>, vector<16xf32>, vector<16xf32>, vector<16xf32>, vector<16xf32>, vector<16xf32>, vector<16xf32>, vector<16xf32>
      } {sc.loop_unroll_factor = 2 : i64, sc.parallel_access}
      %add3A_82 = arith.addf %parallel_loop3A_81#0, %parallel_loop3A_81#1 : vector<16xf32>
      %add3A_83 = arith.addf %add3A_82, %parallel_loop3A_81#2 : vector<16xf32>
      %add3A_84 = arith.addf %add3A_83, %parallel_loop3A_81#3 : vector<16xf32>
      %add3A_85 = arith.addf %add3A_84, %parallel_loop3A_81#4 : vector<16xf32>
      %add3A_86 = arith.addf %add3A_85, %parallel_loop3A_81#5 : vector<16xf32>
      %add3A_87 = arith.addf %add3A_86, %parallel_loop3A_81#6 : vector<16xf32>
      %add3A_88 = arith.addf %add3A_87, %parallel_loop3A_81#7 : vector<16xf32>
      %add3A_89 = arith.addi %add3A_19, %scan3A_60 : i32
      %sub3A = arith.constant 1024 : i32
      %sub3A_90 = arith.subi %add3A_89, %sub3A : i32
      %convert_element_type3A = arith.sitofp %sub3A_90 : i32 to f32
      %add3A_91 = arith.addf %scan3A_61, %add3A_88 : vector<16xf32>
      %mul3A_92 = vector.broadcast %convert_element_type3A : f32 to vector<16xf32>
      %mul3A_93 = arith.mulf %mul3A_92, %add3A_88 : vector<16xf32>
      %add3A_94 = arith.addf %scan3A_62, %mul3A_93 : vector<16xf32>
      scf.yield %add3A_91, %add3A_94 : vector<16xf32>, vector<16xf32>
    }
    %scan3A_24 = arith.constant 8 : i32
    %dma_wait3A_25 = arith.constant 0 : i32
    %dma_wait3A_26 = tpu.memref_slice %arg3[%add3A_10, %dma_wait3A_25] : memref<2048x2048xf32, #tpu.memory_space<hbm>> -> memref<8x2048xf32, #tpu.memory_space<hbm>>
    %dma_wait3A_27 = arith.constant 0 : i32
    %dma_wait3A_28 = tpu.memref_slice %arg3[%add3A_10, %dma_wait3A_27] : memref<2048x2048xf32, #tpu.memory_space<hbm>> -> memref<8x2048xf32, #tpu.memory_space<hbm>>
    tpu.wait_dma2 semaphore(%arg11 : memref<!tpu.dma_semaphore, #tpu.memory_space<semaphore_mem>>) src(%dma_wait3A_28 : memref<8x2048xf32, #tpu.memory_space<hbm>>) dst(%arg6 : memref<8x2048xf32, #tpu.memory_space<vmem>>)
    %add3A_29 = arith.constant 0 : i32
    %add3A_30 = arith.addi %mul3A_2, %add3A_29 : i32
    %scan3A_31 = arith.constant 0 : i32
    %scan3A_32 = arith.constant 8 : i32
    %scan3A_33 = arith.addi %scan3A_31, %scan3A_32 : i32
    %scan3A_34 = arith.constant 1 : i32
    %scan3A_35:2 = scf.for %scan3A_60 = %scan3A_31 to %scan3A_33 step %scan3A_34 iter_args(%scan3A_61 = %broadcast_in_dim3A_3, %scan3A_62 = %broadcast_in_dim3A_3) -> (vector<16xf32>, vector<16xf32>)  : i32 {
      %broadcast_in_dim3A_63 = arith.constant 0.000000e+00 : f32
      %broadcast_in_dim3A_64 = vector.broadcast %broadcast_in_dim3A_63 : f32 to vector<16xf32>
      %broadcast_in_dim3A_65 = arith.constant 0.000000e+00 : f32
      %broadcast_in_dim3A_66 = vector.broadcast %broadcast_in_dim3A_65 : f32 to vector<16xf32>
      %broadcast_in_dim3A_67 = arith.constant 0.000000e+00 : f32
      %broadcast_in_dim3A_68 = vector.broadcast %broadcast_in_dim3A_67 : f32 to vector<16xf32>
      %broadcast_in_dim3A_69 = arith.constant 0.000000e+00 : f32
      %broadcast_in_dim3A_70 = vector.broadcast %broadcast_in_dim3A_69 : f32 to vector<16xf32>
      %broadcast_in_dim3A_71 = arith.constant 0.000000e+00 : f32
      %broadcast_in_dim3A_72 = vector.broadcast %broadcast_in_dim3A_71 : f32 to vector<16xf32>
      %broadcast_in_dim3A_73 = arith.constant 0.000000e+00 : f32
      %broadcast_in_dim3A_74 = vector.broadcast %broadcast_in_dim3A_73 : f32 to vector<16xf32>
      %broadcast_in_dim3A_75 = arith.constant 0.000000e+00 : f32
      %broadcast_in_dim3A_76 = vector.broadcast %broadcast_in_dim3A_75 : f32 to vector<16xf32>
      %broadcast_in_dim3A_77 = arith.constant 0.000000e+00 : f32
      %broadcast_in_dim3A_78 = vector.broadcast %broadcast_in_dim3A_77 : f32 to vector<16xf32>
      %parallel_loop3A = arith.constant 0 : i32
      %parallel_loop3A_79 = arith.constant 16 : i32
      %parallel_loop3A_80 = arith.constant 1 : i32
      %parallel_loop3A_81:8 = scf.for %parallel_loop3A_95 = %parallel_loop3A to %parallel_loop3A_79 step %parallel_loop3A_80 iter_args(%parallel_loop3A_96 = %broadcast_in_dim3A_64, %parallel_loop3A_97 = %broadcast_in_dim3A_66, %parallel_loop3A_98 = %broadcast_in_dim3A_68, %parallel_loop3A_99 = %broadcast_in_dim3A_70, %parallel_loop3A_100 = %broadcast_in_dim3A_72, %parallel_loop3A_101 = %broadcast_in_dim3A_74, %parallel_loop3A_102 = %broadcast_in_dim3A_76, %parallel_loop3A_103 = %broadcast_in_dim3A_78) -> (vector<16xf32>, vector<16xf32>, vector<16xf32>, vector<16xf32>, vector<16xf32>, vector<16xf32>, vector<16xf32>, vector<16xf32>)  : i32 {
        %parallel_loop3A_104 = arith.constant 8 : i32
        %parallel_loop3A_105 = arith.muli %parallel_loop3A_95, %parallel_loop3A_104 : i32
        %parallel_loop3A_106 = arith.constant 0 : i32
        %parallel_loop3A_107 = arith.addi %parallel_loop3A_105, %parallel_loop3A_106 : i32
        %parallel_loop3A_108 = arith.constant 16 : i32
        %parallel_loop3A_109 = arith.muli %parallel_loop3A_107, %parallel_loop3A_108 : i32
        %parallel_loop3A_110 = arith.index_cast %scan3A_60 : i32 to index
        %parallel_loop3A_111 = arith.index_cast %parallel_loop3A_109 : i32 to index
        %parallel_loop3A_112 = tpu.vector_load %arg6[%parallel_loop3A_110, %parallel_loop3A_111] {strides = array<i32>} : memref<8x2048xf32, #tpu.memory_space<vmem>>, vector<1x16xf32>,
        %parallel_loop3A_113 = vector.shape_cast %parallel_loop3A_112 : vector<1x16xf32> to vector<16xf32>
        %parallel_loop3A_114 = arith.constant 0.000000e+00 : f32
        %parallel_loop3A_115 = vector.broadcast %parallel_loop3A_114 : f32 to vector<16xf32>
        %parallel_loop3A_116 = arith.cmpf one, %parallel_loop3A_113, %parallel_loop3A_115 : vector<16xf32>
        %parallel_loop3A_117 = arith.constant 1.000000e+00 : f32
        %parallel_loop3A_118 = arith.constant 0.000000e+00 : f32
        %parallel_loop3A_119 = vector.broadcast %parallel_loop3A_117 : f32 to vector<16xf32>
        %parallel_loop3A_120 = vector.broadcast %parallel_loop3A_118 : f32 to vector<16xf32>
        %parallel_loop3A_121 = arith.select %parallel_loop3A_116, %parallel_loop3A_119, %parallel_loop3A_120 : vector<16xi1>, vector<16xf32>
        %parallel_loop3A_122 = arith.addf %parallel_loop3A_96, %parallel_loop3A_121 : vector<16xf32>
        %parallel_loop3A_123 = arith.constant 8 : i32
        %parallel_loop3A_124 = arith.muli %parallel_loop3A_95, %parallel_loop3A_123 : i32
        %parallel_loop3A_125 = arith.constant 1 : i32
        %parallel_loop3A_126 = arith.addi %parallel_loop3A_124, %parallel_loop3A_125 : i32
        %parallel_loop3A_127 = arith.constant 16 : i32
        %parallel_loop3A_128 = arith.muli %parallel_loop3A_126, %parallel_loop3A_127 : i32
        %parallel_loop3A_129 = arith.index_cast %scan3A_60 : i32 to index
        %parallel_loop3A_130 = arith.index_cast %parallel_loop3A_128 : i32 to index
        %parallel_loop3A_131 = tpu.vector_load %arg6[%parallel_loop3A_129, %parallel_loop3A_130] {strides = array<i32>} : memref<8x2048xf32, #tpu.memory_space<vmem>>, vector<1x16xf32>,
        %parallel_loop3A_132 = vector.shape_cast %parallel_loop3A_131 : vector<1x16xf32> to vector<16xf32>
        %parallel_loop3A_133 = arith.constant 0.000000e+00 : f32
        %parallel_loop3A_134 = vector.broadcast %parallel_loop3A_133 : f32 to vector<16xf32>
        %parallel_loop3A_135 = arith.cmpf one, %parallel_loop3A_132, %parallel_loop3A_134 : vector<16xf32>
        %parallel_loop3A_136 = arith.constant 1.000000e+00 : f32
        %parallel_loop3A_137 = arith.constant 0.000000e+00 : f32
        %parallel_loop3A_138 = vector.broadcast %parallel_loop3A_136 : f32 to vector<16xf32>
        %parallel_loop3A_139 = vector.broadcast %parallel_loop3A_137 : f32 to vector<16xf32>
        %parallel_loop3A_140 = arith.select %parallel_loop3A_135, %parallel_loop3A_138, %parallel_loop3A_139 : vector<16xi1>, vector<16xf32>
        %parallel_loop3A_141 = arith.addf %parallel_loop3A_97, %parallel_loop3A_140 : vector<16xf32>
        %parallel_loop3A_142 = arith.constant 8 : i32
        %parallel_loop3A_143 = arith.muli %parallel_loop3A_95, %parallel_loop3A_142 : i32
        %parallel_loop3A_144 = arith.constant 2 : i32
        %parallel_loop3A_145 = arith.addi %parallel_loop3A_143, %parallel_loop3A_144 : i32
        %parallel_loop3A_146 = arith.constant 16 : i32
        %parallel_loop3A_147 = arith.muli %parallel_loop3A_145, %parallel_loop3A_146 : i32
        %parallel_loop3A_148 = arith.index_cast %scan3A_60 : i32 to index
        %parallel_loop3A_149 = arith.index_cast %parallel_loop3A_147 : i32 to index
        %parallel_loop3A_150 = tpu.vector_load %arg6[%parallel_loop3A_148, %parallel_loop3A_149] {strides = array<i32>} : memref<8x2048xf32, #tpu.memory_space<vmem>>, vector<1x16xf32>,
        %parallel_loop3A_151 = vector.shape_cast %parallel_loop3A_150 : vector<1x16xf32> to vector<16xf32>
        %parallel_loop3A_152 = arith.constant 0.000000e+00 : f32
        %parallel_loop3A_153 = vector.broadcast %parallel_loop3A_152 : f32 to vector<16xf32>
        %parallel_loop3A_154 = arith.cmpf one, %parallel_loop3A_151, %parallel_loop3A_153 : vector<16xf32>
        %parallel_loop3A_155 = arith.constant 1.000000e+00 : f32
        %parallel_loop3A_156 = arith.constant 0.000000e+00 : f32
        %parallel_loop3A_157 = vector.broadcast %parallel_loop3A_155 : f32 to vector<16xf32>
        %parallel_loop3A_158 = vector.broadcast %parallel_loop3A_156 : f32 to vector<16xf32>
        %parallel_loop3A_159 = arith.select %parallel_loop3A_154, %parallel_loop3A_157, %parallel_loop3A_158 : vector<16xi1>, vector<16xf32>
        %parallel_loop3A_160 = arith.addf %parallel_loop3A_98, %parallel_loop3A_159 : vector<16xf32>
        %parallel_loop3A_161 = arith.constant 8 : i32
        %parallel_loop3A_162 = arith.muli %parallel_loop3A_95, %parallel_loop3A_161 : i32
        %parallel_loop3A_163 = arith.constant 3 : i32
        %parallel_loop3A_164 = arith.addi %parallel_loop3A_162, %parallel_loop3A_163 : i32
        %parallel_loop3A_165 = arith.constant 16 : i32
        %parallel_loop3A_166 = arith.muli %parallel_loop3A_164, %parallel_loop3A_165 : i32
        %parallel_loop3A_167 = arith.index_cast %scan3A_60 : i32 to index
        %parallel_loop3A_168 = arith.index_cast %parallel_loop3A_166 : i32 to index
        %parallel_loop3A_169 = tpu.vector_load %arg6[%parallel_loop3A_167, %parallel_loop3A_168] {strides = array<i32>} : memref<8x2048xf32, #tpu.memory_space<vmem>>, vector<1x16xf32>,
        %parallel_loop3A_170 = vector.shape_cast %parallel_loop3A_169 : vector<1x16xf32> to vector<16xf32>
        %parallel_loop3A_171 = arith.constant 0.000000e+00 : f32
        %parallel_loop3A_172 = vector.broadcast %parallel_loop3A_171 : f32 to vector<16xf32>
        %parallel_loop3A_173 = arith.cmpf one, %parallel_loop3A_170, %parallel_loop3A_172 : vector<16xf32>
        %parallel_loop3A_174 = arith.constant 1.000000e+00 : f32
        %parallel_loop3A_175 = arith.constant 0.000000e+00 : f32
        %parallel_loop3A_176 = vector.broadcast %parallel_loop3A_174 : f32 to vector<16xf32>
        %parallel_loop3A_177 = vector.broadcast %parallel_loop3A_175 : f32 to vector<16xf32>
        %parallel_loop3A_178 = arith.select %parallel_loop3A_173, %parallel_loop3A_176, %parallel_loop3A_177 : vector<16xi1>, vector<16xf32>
        %parallel_loop3A_179 = arith.addf %parallel_loop3A_99, %parallel_loop3A_178 : vector<16xf32>
        %parallel_loop3A_180 = arith.constant 8 : i32
        %parallel_loop3A_181 = arith.muli %parallel_loop3A_95, %parallel_loop3A_180 : i32
        %parallel_loop3A_182 = arith.constant 4 : i32
        %parallel_loop3A_183 = arith.addi %parallel_loop3A_181, %parallel_loop3A_182 : i32
        %parallel_loop3A_184 = arith.constant 16 : i32
        %parallel_loop3A_185 = arith.muli %parallel_loop3A_183, %parallel_loop3A_184 : i32
        %parallel_loop3A_186 = arith.index_cast %scan3A_60 : i32 to index
        %parallel_loop3A_187 = arith.index_cast %parallel_loop3A_185 : i32 to index
        %parallel_loop3A_188 = tpu.vector_load %arg6[%parallel_loop3A_186, %parallel_loop3A_187] {strides = array<i32>} : memref<8x2048xf32, #tpu.memory_space<vmem>>, vector<1x16xf32>,
        %parallel_loop3A_189 = vector.shape_cast %parallel_loop3A_188 : vector<1x16xf32> to vector<16xf32>
        %parallel_loop3A_190 = arith.constant 0.000000e+00 : f32
        %parallel_loop3A_191 = vector.broadcast %parallel_loop3A_190 : f32 to vector<16xf32>
        %parallel_loop3A_192 = arith.cmpf one, %parallel_loop3A_189, %parallel_loop3A_191 : vector<16xf32>
        %parallel_loop3A_193 = arith.constant 1.000000e+00 : f32
        %parallel_loop3A_194 = arith.constant 0.000000e+00 : f32
        %parallel_loop3A_195 = vector.broadcast %parallel_loop3A_193 : f32 to vector<16xf32>
        %parallel_loop3A_196 = vector.broadcast %parallel_loop3A_194 : f32 to vector<16xf32>
        %parallel_loop3A_197 = arith.select %parallel_loop3A_192, %parallel_loop3A_195, %parallel_loop3A_196 : vector<16xi1>, vector<16xf32>
        %parallel_loop3A_198 = arith.addf %parallel_loop3A_100, %parallel_loop3A_197 : vector<16xf32>
        %parallel_loop3A_199 = arith.constant 8 : i32
        %parallel_loop3A_200 = arith.muli %parallel_loop3A_95, %parallel_loop3A_199 : i32
        %parallel_loop3A_201 = arith.constant 5 : i32
        %parallel_loop3A_202 = arith.addi %parallel_loop3A_200, %parallel_loop3A_201 : i32
        %parallel_loop3A_203 = arith.constant 16 : i32
        %parallel_loop3A_204 = arith.muli %parallel_loop3A_202, %parallel_loop3A_203 : i32
        %parallel_loop3A_205 = arith.index_cast %scan3A_60 : i32 to index
        %parallel_loop3A_206 = arith.index_cast %parallel_loop3A_204 : i32 to index
        %parallel_loop3A_207 = tpu.vector_load %arg6[%parallel_loop3A_205, %parallel_loop3A_206] {strides = array<i32>} : memref<8x2048xf32, #tpu.memory_space<vmem>>, vector<1x16xf32>,
        %parallel_loop3A_208 = vector.shape_cast %parallel_loop3A_207 : vector<1x16xf32> to vector<16xf32>
        %parallel_loop3A_209 = arith.constant 0.000000e+00 : f32
        %parallel_loop3A_210 = vector.broadcast %parallel_loop3A_209 : f32 to vector<16xf32>
        %parallel_loop3A_211 = arith.cmpf one, %parallel_loop3A_208, %parallel_loop3A_210 : vector<16xf32>
        %parallel_loop3A_212 = arith.constant 1.000000e+00 : f32
        %parallel_loop3A_213 = arith.constant 0.000000e+00 : f32
        %parallel_loop3A_214 = vector.broadcast %parallel_loop3A_212 : f32 to vector<16xf32>
        %parallel_loop3A_215 = vector.broadcast %parallel_loop3A_213 : f32 to vector<16xf32>
        %parallel_loop3A_216 = arith.select %parallel_loop3A_211, %parallel_loop3A_214, %parallel_loop3A_215 : vector<16xi1>, vector<16xf32>
        %parallel_loop3A_217 = arith.addf %parallel_loop3A_101, %parallel_loop3A_216 : vector<16xf32>
        %parallel_loop3A_218 = arith.constant 8 : i32
        %parallel_loop3A_219 = arith.muli %parallel_loop3A_95, %parallel_loop3A_218 : i32
        %parallel_loop3A_220 = arith.constant 6 : i32
        %parallel_loop3A_221 = arith.addi %parallel_loop3A_219, %parallel_loop3A_220 : i32
        %parallel_loop3A_222 = arith.constant 16 : i32
        %parallel_loop3A_223 = arith.muli %parallel_loop3A_221, %parallel_loop3A_222 : i32
        %parallel_loop3A_224 = arith.index_cast %scan3A_60 : i32 to index
        %parallel_loop3A_225 = arith.index_cast %parallel_loop3A_223 : i32 to index
        %parallel_loop3A_226 = tpu.vector_load %arg6[%parallel_loop3A_224, %parallel_loop3A_225] {strides = array<i32>} : memref<8x2048xf32, #tpu.memory_space<vmem>>, vector<1x16xf32>,
        %parallel_loop3A_227 = vector.shape_cast %parallel_loop3A_226 : vector<1x16xf32> to vector<16xf32>
        %parallel_loop3A_228 = arith.constant 0.000000e+00 : f32
        %parallel_loop3A_229 = vector.broadcast %parallel_loop3A_228 : f32 to vector<16xf32>
        %parallel_loop3A_230 = arith.cmpf one, %parallel_loop3A_227, %parallel_loop3A_229 : vector<16xf32>
        %parallel_loop3A_231 = arith.constant 1.000000e+00 : f32
        %parallel_loop3A_232 = arith.constant 0.000000e+00 : f32
        %parallel_loop3A_233 = vector.broadcast %parallel_loop3A_231 : f32 to vector<16xf32>
        %parallel_loop3A_234 = vector.broadcast %parallel_loop3A_232 : f32 to vector<16xf32>
        %parallel_loop3A_235 = arith.select %parallel_loop3A_230, %parallel_loop3A_233, %parallel_loop3A_234 : vector<16xi1>, vector<16xf32>
        %parallel_loop3A_236 = arith.addf %parallel_loop3A_102, %parallel_loop3A_235 : vector<16xf32>
        %parallel_loop3A_237 = arith.constant 8 : i32
        %parallel_loop3A_238 = arith.muli %parallel_loop3A_95, %parallel_loop3A_237 : i32
        %parallel_loop3A_239 = arith.constant 7 : i32
        %parallel_loop3A_240 = arith.addi %parallel_loop3A_238, %parallel_loop3A_239 : i32
        %parallel_loop3A_241 = arith.constant 16 : i32
        %parallel_loop3A_242 = arith.muli %parallel_loop3A_240, %parallel_loop3A_241 : i32
        %parallel_loop3A_243 = arith.index_cast %scan3A_60 : i32 to index
        %parallel_loop3A_244 = arith.index_cast %parallel_loop3A_242 : i32 to index
        %parallel_loop3A_245 = tpu.vector_load %arg6[%parallel_loop3A_243, %parallel_loop3A_244] {strides = array<i32>} : memref<8x2048xf32, #tpu.memory_space<vmem>>, vector<1x16xf32>,
        %parallel_loop3A_246 = vector.shape_cast %parallel_loop3A_245 : vector<1x16xf32> to vector<16xf32>
        %parallel_loop3A_247 = arith.constant 0.000000e+00 : f32
        %parallel_loop3A_248 = vector.broadcast %parallel_loop3A_247 : f32 to vector<16xf32>
        %parallel_loop3A_249 = arith.cmpf one, %parallel_loop3A_246, %parallel_loop3A_248 : vector<16xf32>
        %parallel_loop3A_250 = arith.constant 1.000000e+00 : f32
        %parallel_loop3A_251 = arith.constant 0.000000e+00 : f32
        %parallel_loop3A_252 = vector.broadcast %parallel_loop3A_250 : f32 to vector<16xf32>
        %parallel_loop3A_253 = vector.broadcast %parallel_loop3A_251 : f32 to vector<16xf32>
        %parallel_loop3A_254 = arith.select %parallel_loop3A_249, %parallel_loop3A_252, %parallel_loop3A_253 : vector<16xi1>, vector<16xf32>
        %parallel_loop3A_255 = arith.addf %parallel_loop3A_103, %parallel_loop3A_254 : vector<16xf32>
        scf.yield %parallel_loop3A_122, %parallel_loop3A_141, %parallel_loop3A_160, %parallel_loop3A_179, %parallel_loop3A_198, %parallel_loop3A_217, %parallel_loop3A_236, %parallel_loop3A_255 : vector<16xf32>, vector<16xf32>, vector<16xf32>, vector<16xf32>, vector<16xf32>, vector<16xf32>, vector<16xf32>, vector<16xf32>
      } {sc.loop_unroll_factor = 2 : i64, sc.parallel_access}
      %add3A_82 = arith.addf %parallel_loop3A_81#0, %parallel_loop3A_81#1 : vector<16xf32>
      %add3A_83 = arith.addf %add3A_82, %parallel_loop3A_81#2 : vector<16xf32>
      %add3A_84 = arith.addf %add3A_83, %parallel_loop3A_81#3 : vector<16xf32>
      %add3A_85 = arith.addf %add3A_84, %parallel_loop3A_81#4 : vector<16xf32>
      %add3A_86 = arith.addf %add3A_85, %parallel_loop3A_81#5 : vector<16xf32>
      %add3A_87 = arith.addf %add3A_86, %parallel_loop3A_81#6 : vector<16xf32>
      %add3A_88 = arith.addf %add3A_87, %parallel_loop3A_81#7 : vector<16xf32>
      %add3A_89 = arith.addi %add3A_30, %scan3A_60 : i32
      %sub3A = arith.constant 1024 : i32
      %sub3A_90 = arith.subi %add3A_89, %sub3A : i32
      %convert_element_type3A = arith.sitofp %sub3A_90 : i32 to f32
      %add3A_91 = arith.addf %scan3A_61, %add3A_88 : vector<16xf32>
      %mul3A_92 = vector.broadcast %convert_element_type3A : f32 to vector<16xf32>
      %mul3A_93 = arith.mulf %mul3A_92, %add3A_88 : vector<16xf32>
      %add3A_94 = arith.addf %scan3A_62, %mul3A_93 : vector<16xf32>
      scf.yield %add3A_91, %add3A_94 : vector<16xf32>, vector<16xf32>
    }
    %scan3A_36 = arith.constant 8 : i32
    %swap3A = arith.constant 0 : i32
    %swap3A_37 = arith.index_cast %swap3A : i32 to index
    %swap3A_38 = arith.constant 0 : index
    %swap3A_39 = tpu.vector_load %arg9[%swap3A_37, %swap3A_38] {strides = array<i32>} : memref<4x16xf32, #tpu.memory_space<vmem>>, vector<1x16xf32>,
    %swap3A_40 = vector.shape_cast %swap3A_39 : vector<1x16xf32> to vector<16xf32>
    %swap3A_41 = vector.shape_cast %scan3A_23#0 : vector<16xf32> to vector<1x16xf32>
    tpu.vector_store %arg9[%swap3A_37, %swap3A_38], %swap3A_41 {strides = array<i32>} : memref<4x16xf32, #tpu.memory_space<vmem>>, vector<1x16xf32>,
    %swap3A_42 = arith.constant 1 : i32
    %swap3A_43 = arith.index_cast %swap3A_42 : i32 to index
    %swap3A_44 = arith.constant 0 : index
    %swap3A_45 = tpu.vector_load %arg9[%swap3A_43, %swap3A_44] {strides = array<i32>} : memref<4x16xf32, #tpu.memory_space<vmem>>, vector<1x16xf32>,
    %swap3A_46 = vector.shape_cast %swap3A_45 : vector<1x16xf32> to vector<16xf32>
    %swap3A_47 = vector.shape_cast %scan3A_23#1 : vector<16xf32> to vector<1x16xf32>
    tpu.vector_store %arg9[%swap3A_43, %swap3A_44], %swap3A_47 {strides = array<i32>} : memref<4x16xf32, #tpu.memory_space<vmem>>, vector<1x16xf32>,
    %swap3A_48 = arith.constant 2 : i32
    %swap3A_49 = arith.index_cast %swap3A_48 : i32 to index
    %swap3A_50 = arith.constant 0 : index
    %swap3A_51 = tpu.vector_load %arg9[%swap3A_49, %swap3A_50] {strides = array<i32>} : memref<4x16xf32, #tpu.memory_space<vmem>>, vector<1x16xf32>,
    %swap3A_52 = vector.shape_cast %swap3A_51 : vector<1x16xf32> to vector<16xf32>
    %swap3A_53 = vector.shape_cast %scan3A_35#0 : vector<16xf32> to vector<1x16xf32>
    tpu.vector_store %arg9[%swap3A_49, %swap3A_50], %swap3A_53 {strides = array<i32>} : memref<4x16xf32, #tpu.memory_space<vmem>>, vector<1x16xf32>,
    %swap3A_54 = arith.constant 3 : i32
    %swap3A_55 = arith.index_cast %swap3A_54 : i32 to index
    %swap3A_56 = arith.constant 0 : index
    %swap3A_57 = tpu.vector_load %arg9[%swap3A_55, %swap3A_56] {strides = array<i32>} : memref<4x16xf32, #tpu.memory_space<vmem>>, vector<1x16xf32>,
    %swap3A_58 = vector.shape_cast %swap3A_57 : vector<1x16xf32> to vector<16xf32>
    %swap3A_59 = vector.shape_cast %scan3A_35#1 : vector<16xf32> to vector<1x16xf32>
    tpu.vector_store %arg9[%swap3A_55, %swap3A_56], %swap3A_59 {strides = array<i32>} : memref<4x16xf32, #tpu.memory_space<vmem>>, vector<1x16xf32>,
    "tpu.region"() ({
      %run_scoped3A = tpu.sem_alloc : memref<!tpu.dma_semaphore, #tpu.memory_space<semaphore_mem>>
      %dma_start3A_60 = arith.constant 0 : i32
      %dma_start3A_61 = arith.constant 0 : i32
      %dma_start3A_62 = tpu.memref_slice %arg4[%dma_start3A_60, %add3A, %dma_start3A_61] : memref<4x32x16xf32, #tpu.memory_space<hbm>> -> memref<4x1x16xf32, #tpu.memory_space<hbm>>
      %dma_start3A_63 = tpu.memref_squeeze %dma_start3A_62 : memref<4x1x16xf32, #tpu.memory_space<hbm>> -> memref<4x16xf32, #tpu.memory_space<hbm>>
      %dma_start3A_64 = arith.constant 0 : i32
      %dma_start3A_65 = arith.constant 0 : i32
      %dma_start3A_66 = tpu.memref_slice %arg4[%dma_start3A_64, %add3A, %dma_start3A_65] : memref<4x32x16xf32, #tpu.memory_space<hbm>> -> memref<4x1x16xf32, #tpu.memory_space<hbm>>
      %dma_start3A_67 = tpu.memref_squeeze %dma_start3A_66 : memref<4x1x16xf32, #tpu.memory_space<hbm>> -> memref<4x16xf32, #tpu.memory_space<hbm>>
      tpu.enqueue_dma source(%arg9 : memref<4x16xf32, #tpu.memory_space<vmem>>) target(%dma_start3A_67 : memref<4x16xf32, #tpu.memory_space<hbm>>) target_semaphore(%run_scoped3A : memref<!tpu.dma_semaphore, #tpu.memory_space<semaphore_mem>>)
      %dma_wait3A_68 = arith.constant 0 : i32
      %dma_wait3A_69 = arith.constant 0 : i32
      %dma_wait3A_70 = tpu.memref_slice %arg4[%dma_wait3A_68, %add3A, %dma_wait3A_69] : memref<4x32x16xf32, #tpu.memory_space<hbm>> -> memref<4x1x16xf32, #tpu.memory_space<hbm>>
      %dma_wait3A_71 = tpu.memref_squeeze %dma_wait3A_70 : memref<4x1x16xf32, #tpu.memory_space<hbm>> -> memref<4x16xf32, #tpu.memory_space<hbm>>
      %dma_wait3A_72 = arith.constant 0 : i32
      %dma_wait3A_73 = arith.constant 0 : i32
      %dma_wait3A_74 = tpu.memref_slice %arg4[%dma_wait3A_72, %add3A, %dma_wait3A_73] : memref<4x32x16xf32, #tpu.memory_space<hbm>> -> memref<4x1x16xf32, #tpu.memory_space<hbm>>
      %dma_wait3A_75 = tpu.memref_squeeze %dma_wait3A_74 : memref<4x1x16xf32, #tpu.memory_space<hbm>> -> memref<4x16xf32, #tpu.memory_space<hbm>>
      tpu.wait_dma2 semaphore(%run_scoped3A : memref<!tpu.dma_semaphore, #tpu.memory_space<semaphore_mem>>) src(%arg9 : memref<4x16xf32, #tpu.memory_space<vmem>>) dst(%dma_wait3A_75 : memref<4x16xf32, #tpu.memory_space<hbm>>)
      tpu.yield
    }) : () -> ()
    return
  }
}

module attributes {stable_mosaic.version = 14 : i64} {
  func.func @_tc_body(%arg0: i32, %arg1: memref<448x2048xf32, #tpu.memory_space<vmem>>, %arg2: memref<448x2048xf32, #tpu.memory_space<vmem>>, %arg3: memref<4xi32, #tpu.memory_space<smem>>) attributes {dimension_semantics = [#tpu.dimension_semantics<arbitrary>], iteration_bounds = array<i64: 4>, scalar_prefetch = 0 : i64, scratch_operands = 0 : i64, tpu.core_type = #tpu.core_type<tc>, window_params = [{transform_indices = @transform_0, window_bounds = array<i64: 448, 2048>}, {transform_indices = @transform_1, window_bounds = array<i64: 448, 2048>}, {transform_indices = @transform_2, window_bounds = array<i64: 4>}]} {
    %eq3A = arith.constant 0 : i32
    %eq3A_0 = arith.cmpi eq, %arg0, %eq3A : i32
    %convert_element_type3A = arith.extui %eq3A_0 : i1 to i32
    %cond3A = arith.constant 0 : i32
    %cond3A_1 = arith.cmpi ne, %convert_element_type3A, %cond3A : i32
    scf.if %cond3A_1 {
      %swap3A_58 = arith.constant 0 : i32
      %swap3A_59 = arith.constant 0 : index
      %swap3A_60 = memref.load %arg3[%swap3A_59] : memref<4xi32, #tpu.memory_space<smem>>
      memref.store %swap3A_58, %arg3[%swap3A_59] : memref<4xi32, #tpu.memory_space<smem>>
      %swap3A_61 = arith.constant 0 : i32
      %swap3A_62 = arith.constant 1 : index
      %swap3A_63 = memref.load %arg3[%swap3A_62] : memref<4xi32, #tpu.memory_space<smem>>
      memref.store %swap3A_61, %arg3[%swap3A_62] : memref<4xi32, #tpu.memory_space<smem>>
      %swap3A_64 = arith.constant 0 : i32
      %swap3A_65 = arith.constant 2 : index
      %swap3A_66 = memref.load %arg3[%swap3A_65] : memref<4xi32, #tpu.memory_space<smem>>
      memref.store %swap3A_64, %arg3[%swap3A_65] : memref<4xi32, #tpu.memory_space<smem>>
      %swap3A_67 = arith.constant 0 : i32
      %swap3A_68 = arith.constant 3 : index
      %swap3A_69 = memref.load %arg3[%swap3A_68] : memref<4xi32, #tpu.memory_space<smem>>
      memref.store %swap3A_67, %arg3[%swap3A_68] : memref<4xi32, #tpu.memory_space<smem>>
    } else {
    }
    %iota3A = tpu.iota {dimensions = array<i32: 1>} : vector<1x448xi32>
    %iota3A_2 = vector.shape_cast %iota3A : vector<1x448xi32> to vector<448xi32>
    %mul3A = arith.constant 448 : i32
    %mul3A_3 = arith.muli %arg0, %mul3A : i32
    %add3A = arith.constant -768 : i32
    %add3A_4 = arith.addi %add3A, %mul3A_3 : i32
    %add3A_5 = vector.broadcast %add3A_4 : i32 to vector<448xi32>
    %add3A_6 = arith.addi %iota3A_2, %add3A_5 : vector<448xi32>
    %get3A = arith.constant 0 : index
    %get3A_7 = arith.constant 0 : index
    %get3A_8 = vector.load %arg1[%get3A, %get3A_7] : memref<448x2048xf32, #tpu.memory_space<vmem>>, vector<448x2048xf32>
    %reduce_sum3A = arith.constant dense<0.000000e+00> : vector<448xf32>
    %reduce_sum3A_9 = vector.multi_reduction <add>, %get3A_8, %reduce_sum3A [1] : vector<448x2048xf32> to vector<448xf32>
    %convert_element_type3A_10 = arith.fptosi %reduce_sum3A_9 : vector<448xf32> to vector<448xi32>
    %get3A_11 = arith.constant 0 : index
    %get3A_12 = arith.constant 0 : index
    %get3A_13 = vector.load %arg2[%get3A_11, %get3A_12] : memref<448x2048xf32, #tpu.memory_space<vmem>>, vector<448x2048xf32>
    %reduce_sum3A_14 = arith.constant dense<0.000000e+00> : vector<448xf32>
    %reduce_sum3A_15 = vector.multi_reduction <add>, %get3A_13, %reduce_sum3A_14 [1] : vector<448x2048xf32> to vector<448xf32>
    %convert_element_type3A_16 = arith.fptosi %reduce_sum3A_15 : vector<448xf32> to vector<448xi32>
    %get3A_17 = arith.constant 0 : index
    %get3A_18 = memref.load %arg3[%get3A_17] : memref<4xi32, #tpu.memory_space<smem>>
    %reduce_sum3A_19 = vector.shape_cast %convert_element_type3A_10 : vector<448xi32> to vector<1x448xi32>
    %reduce_sum3A_20 = arith.constant dense<0> : vector<1xi32>
    %reduce_sum3A_21 = vector.multi_reduction <add>, %reduce_sum3A_19, %reduce_sum3A_20 [1] : vector<1x448xi32> to vector<1xi32>
    %reduce_sum3A_22 = vector.shape_cast %reduce_sum3A_21 : vector<1xi32> to vector<1x1xi32>
    %reduce_sum3A_23 = vector.extract %reduce_sum3A_22[0, 0] : i32 from vector<1x1xi32>
    %add3A_24 = arith.addi %get3A_18, %reduce_sum3A_23 : i32
    %swap3A = arith.constant 0 : index
    %swap3A_25 = memref.load %arg3[%swap3A] : memref<4xi32, #tpu.memory_space<smem>>
    memref.store %add3A_24, %arg3[%swap3A] : memref<4xi32, #tpu.memory_space<smem>>
    %get3A_26 = arith.constant 1 : index
    %get3A_27 = memref.load %arg3[%get3A_26] : memref<4xi32, #tpu.memory_space<smem>>
    %mul3A_28 = arith.muli %convert_element_type3A_10, %add3A_6 : vector<448xi32>
    %reduce_sum3A_29 = vector.shape_cast %mul3A_28 : vector<448xi32> to vector<1x448xi32>
    %reduce_sum3A_30 = arith.constant dense<0> : vector<1xi32>
    %reduce_sum3A_31 = vector.multi_reduction <add>, %reduce_sum3A_29, %reduce_sum3A_30 [1] : vector<1x448xi32> to vector<1xi32>
    %reduce_sum3A_32 = vector.shape_cast %reduce_sum3A_31 : vector<1xi32> to vector<1x1xi32>
    %reduce_sum3A_33 = vector.extract %reduce_sum3A_32[0, 0] : i32 from vector<1x1xi32>
    %add3A_34 = arith.addi %get3A_27, %reduce_sum3A_33 : i32
    %swap3A_35 = arith.constant 1 : index
    %swap3A_36 = memref.load %arg3[%swap3A_35] : memref<4xi32, #tpu.memory_space<smem>>
    memref.store %add3A_34, %arg3[%swap3A_35] : memref<4xi32, #tpu.memory_space<smem>>
    %get3A_37 = arith.constant 2 : index
    %get3A_38 = memref.load %arg3[%get3A_37] : memref<4xi32, #tpu.memory_space<smem>>
    %reduce_sum3A_39 = vector.shape_cast %convert_element_type3A_16 : vector<448xi32> to vector<1x448xi32>
    %reduce_sum3A_40 = arith.constant dense<0> : vector<1xi32>
    %reduce_sum3A_41 = vector.multi_reduction <add>, %reduce_sum3A_39, %reduce_sum3A_40 [1] : vector<1x448xi32> to vector<1xi32>
    %reduce_sum3A_42 = vector.shape_cast %reduce_sum3A_41 : vector<1xi32> to vector<1x1xi32>
    %reduce_sum3A_43 = vector.extract %reduce_sum3A_42[0, 0] : i32 from vector<1x1xi32>
    %add3A_44 = arith.addi %get3A_38, %reduce_sum3A_43 : i32
    %swap3A_45 = arith.constant 2 : index
    %swap3A_46 = memref.load %arg3[%swap3A_45] : memref<4xi32, #tpu.memory_space<smem>>
    memref.store %add3A_44, %arg3[%swap3A_45] : memref<4xi32, #tpu.memory_space<smem>>
    %get3A_47 = arith.constant 3 : index
    %get3A_48 = memref.load %arg3[%get3A_47] : memref<4xi32, #tpu.memory_space<smem>>
    %mul3A_49 = arith.muli %convert_element_type3A_16, %add3A_6 : vector<448xi32>
    %reduce_sum3A_50 = vector.shape_cast %mul3A_49 : vector<448xi32> to vector<1x448xi32>
    %reduce_sum3A_51 = arith.constant dense<0> : vector<1xi32>
    %reduce_sum3A_52 = vector.multi_reduction <add>, %reduce_sum3A_50, %reduce_sum3A_51 [1] : vector<1x448xi32> to vector<1xi32>
    %reduce_sum3A_53 = vector.shape_cast %reduce_sum3A_52 : vector<1xi32> to vector<1x1xi32>
    %reduce_sum3A_54 = vector.extract %reduce_sum3A_53[0, 0] : i32 from vector<1x1xi32>
    %add3A_55 = arith.addi %get3A_48, %reduce_sum3A_54 : i32
    %swap3A_56 = arith.constant 3 : index
    %swap3A_57 = memref.load %arg3[%swap3A_56] : memref<4xi32, #tpu.memory_space<smem>>
    memref.store %add3A_55, %arg3[%swap3A_56] : memref<4xi32, #tpu.memory_space<smem>>
    return
  }
  func.func @transform_0(%arg0: i32) -> (i32, i32) {
    %add3A = arith.constant 0 : i32
    %add3A_0 = arith.addi %add3A, %arg0 : i32
    %c0_i32 = arith.constant 0 : i32
    %c0_i32_1 = arith.constant 0 : i32
    return %add3A_0, %c0_i32 : i32, i32
  }
  func.func @transform_1(%arg0: i32) -> (i32, i32) {
    %add3A = arith.constant 0 : i32
    %add3A_0 = arith.addi %add3A, %arg0 : i32
    %c0_i32 = arith.constant 0 : i32
    %c0_i32_1 = arith.constant 0 : i32
    return %add3A_0, %c0_i32 : i32, i32
  }
  func.func @transform_2(%arg0: i32) -> i32 {
    %c0_i32 = arith.constant 0 : i32
    %c0_i32_0 = arith.constant 0 : i32
    return %c0_i32 : i32
  }
}

module attributes {stable_mosaic.version = 14 : i64} {
  func.func @_combine_body(%arg0: memref<4x32x16xf32, #tpu.memory_space<vmem>>, %arg1: memref<4xi32, #tpu.memory_space<smem>>, %arg2: memref<1xf32, #tpu.memory_space<smem>>) attributes {dimension_semantics = [], scalar_prefetch = 0 : i64, scratch_operands = 0 : i64, tpu.core_type = #tpu.core_type<tc>} {
    %get3A = arith.constant 0 : index
    %get3A_0 = arith.constant 0 : index
    %get3A_1 = arith.constant 0 : index
    %get3A_2 = vector.load %arg0[%get3A, %get3A_0, %get3A_1] : memref<4x32x16xf32, #tpu.memory_space<vmem>>, vector<1x32x16xf32>
    %get3A_3 = vector.shape_cast %get3A_2 : vector<1x32x16xf32> to vector<32x16xf32>
    %convert_element_type3A = arith.fptosi %get3A_3 : vector<32x16xf32> to vector<32x16xi32>
    %reduce_sum3A = vector.shape_cast %convert_element_type3A : vector<32x16xi32> to vector<1x32x16xi32>
    %reduce_sum3A_4 = arith.constant dense<0> : vector<1xi32>
    %reduce_sum3A_5 = vector.multi_reduction <add>, %reduce_sum3A, %reduce_sum3A_4 [1, 2] : vector<1x32x16xi32> to vector<1xi32>
    %reduce_sum3A_6 = vector.shape_cast %reduce_sum3A_5 : vector<1xi32> to vector<1x1x1xi32>
    %reduce_sum3A_7 = vector.extract %reduce_sum3A_6[0, 0, 0] : i32 from vector<1x1x1xi32>
    %get3A_8 = arith.constant 0 : index
    %get3A_9 = memref.load %arg1[%get3A_8] : memref<4xi32, #tpu.memory_space<smem>>
    %add3A = arith.addi %reduce_sum3A_7, %get3A_9 : i32
    %convert_element_type3A_10 = arith.sitofp %add3A : i32 to f32
    %get3A_11 = arith.constant 1 : index
    %get3A_12 = arith.constant 0 : index
    %get3A_13 = arith.constant 0 : index
    %get3A_14 = vector.load %arg0[%get3A_11, %get3A_12, %get3A_13] : memref<4x32x16xf32, #tpu.memory_space<vmem>>, vector<1x32x16xf32>
    %get3A_15 = vector.shape_cast %get3A_14 : vector<1x32x16xf32> to vector<32x16xf32>
    %convert_element_type3A_16 = arith.fptosi %get3A_15 : vector<32x16xf32> to vector<32x16xi32>
    %reduce_sum3A_17 = vector.shape_cast %convert_element_type3A_16 : vector<32x16xi32> to vector<1x32x16xi32>
    %reduce_sum3A_18 = arith.constant dense<0> : vector<1xi32>
    %reduce_sum3A_19 = vector.multi_reduction <add>, %reduce_sum3A_17, %reduce_sum3A_18 [1, 2] : vector<1x32x16xi32> to vector<1xi32>
    %reduce_sum3A_20 = vector.shape_cast %reduce_sum3A_19 : vector<1xi32> to vector<1x1x1xi32>
    %reduce_sum3A_21 = vector.extract %reduce_sum3A_20[0, 0, 0] : i32 from vector<1x1x1xi32>
    %get3A_22 = arith.constant 1 : index
    %get3A_23 = memref.load %arg1[%get3A_22] : memref<4xi32, #tpu.memory_space<smem>>
    %add3A_24 = arith.addi %reduce_sum3A_21, %get3A_23 : i32
    %convert_element_type3A_25 = arith.sitofp %add3A_24 : i32 to f32
    %get3A_26 = arith.constant 2 : index
    %get3A_27 = arith.constant 0 : index
    %get3A_28 = arith.constant 0 : index
    %get3A_29 = vector.load %arg0[%get3A_26, %get3A_27, %get3A_28] : memref<4x32x16xf32, #tpu.memory_space<vmem>>, vector<1x32x16xf32>
    %get3A_30 = vector.shape_cast %get3A_29 : vector<1x32x16xf32> to vector<32x16xf32>
    %convert_element_type3A_31 = arith.fptosi %get3A_30 : vector<32x16xf32> to vector<32x16xi32>
    %reduce_sum3A_32 = vector.shape_cast %convert_element_type3A_31 : vector<32x16xi32> to vector<1x32x16xi32>
    %reduce_sum3A_33 = arith.constant dense<0> : vector<1xi32>
    %reduce_sum3A_34 = vector.multi_reduction <add>, %reduce_sum3A_32, %reduce_sum3A_33 [1, 2] : vector<1x32x16xi32> to vector<1xi32>
    %reduce_sum3A_35 = vector.shape_cast %reduce_sum3A_34 : vector<1xi32> to vector<1x1x1xi32>
    %reduce_sum3A_36 = vector.extract %reduce_sum3A_35[0, 0, 0] : i32 from vector<1x1x1xi32>
    %get3A_37 = arith.constant 2 : index
    %get3A_38 = memref.load %arg1[%get3A_37] : memref<4xi32, #tpu.memory_space<smem>>
    %add3A_39 = arith.addi %reduce_sum3A_36, %get3A_38 : i32
    %convert_element_type3A_40 = arith.sitofp %add3A_39 : i32 to f32
    %get3A_41 = arith.constant 3 : index
    %get3A_42 = arith.constant 0 : index
    %get3A_43 = arith.constant 0 : index
    %get3A_44 = vector.load %arg0[%get3A_41, %get3A_42, %get3A_43] : memref<4x32x16xf32, #tpu.memory_space<vmem>>, vector<1x32x16xf32>
    %get3A_45 = vector.shape_cast %get3A_44 : vector<1x32x16xf32> to vector<32x16xf32>
    %convert_element_type3A_46 = arith.fptosi %get3A_45 : vector<32x16xf32> to vector<32x16xi32>
    %reduce_sum3A_47 = vector.shape_cast %convert_element_type3A_46 : vector<32x16xi32> to vector<1x32x16xi32>
    %reduce_sum3A_48 = arith.constant dense<0> : vector<1xi32>
    %reduce_sum3A_49 = vector.multi_reduction <add>, %reduce_sum3A_47, %reduce_sum3A_48 [1, 2] : vector<1x32x16xi32> to vector<1xi32>
    %reduce_sum3A_50 = vector.shape_cast %reduce_sum3A_49 : vector<1xi32> to vector<1x1x1xi32>
    %reduce_sum3A_51 = vector.extract %reduce_sum3A_50[0, 0, 0] : i32 from vector<1x1x1xi32>
    %get3A_52 = arith.constant 3 : index
    %get3A_53 = memref.load %arg1[%get3A_52] : memref<4xi32, #tpu.memory_space<smem>>
    %add3A_54 = arith.addi %reduce_sum3A_51, %get3A_53 : i32
    %convert_element_type3A_55 = arith.sitofp %add3A_54 : i32 to f32
    %div3A = arith.divf %convert_element_type3A_25, %convert_element_type3A_10 : f32
    %div3A_56 = arith.divf %convert_element_type3A_55, %convert_element_type3A_40 : f32
    %sub3A = arith.subf %div3A, %div3A_56 : f32
    %mul3A = arith.mulf %sub3A, %sub3A : f32
    %mul3A_57 = arith.constant 4.76837158E-7 : f32
    %mul3A_58 = arith.mulf %mul3A, %mul3A_57 : f32
    %swap3A = arith.constant 0 : index
    %swap3A_59 = memref.load %arg2[%swap3A] : memref<1xf32, #tpu.memory_space<smem>>
    memref.store %mul3A_58, %arg2[%swap3A] : memref<1xf32, #tpu.memory_space<smem>>
    return
  }
}

</mosaic_0001>

<sc_bundles>
// kernel: kernel.5.cloned.1.call-start
scs
__scs_entry_jumppad:
0x0: {  	(pc) =	sbr.rel $0x88, $3  }
0x1: {  	(tag) =	ssettag $0x0;
	lr =	simm.s32 $0x1  }
0x2: {  	[smem:$0x3F9F] =	sst lr;
	_ =	strace $0xD0000000  }
0x3: {  	_ = 	snop  }
0x4: {  	_ = 	snop  }
0x5: {  	_ = 	snop  }
0x6: {  	_ = 	snop  }
0x7: {  	_ = 	snop  }
__scs_overlays_trampoline_lowered:
0x8: {  	[smem:$0x3FAE] =	sst s0  }
0x9: {  	[smem:$0x3FAF] =	sst s1  }
0xa: {  	[smem:$0x3FB0] =	sst s2  }
0xb: {  	[smem:$0x3FB1] =	sst s3  }
0xc: {  	[smem:$0x3FB2] =	sst s4  }
0xd: {  	[smem:$0x3FB3] =	sst s5  }
0xe: {  	[smem:$0x3FB4] =	sst s6  }
0xf: {  	[smem:$0x3FB5] =	sst s7  }
0x10: {  	[smem:$0x3FB6] =	sst s8  }
0x11: {  	[smem:$0x3FB7] =	sst s9;
	s0 =	simm.s32 @!p0 $0x0  }
0x12: {  	s1 =	sld [smem:$0x3F9D];
	s0 =	simm.s32 @p0 $0x1  }
0x13: {  	[smem:$0x3FB8] =	sst s0;
	s0 =	simm.s32 @!p1 $0x0  }
0x14: {  	s2 =	sld [smem:$0x3F9C];
	s0 =	simm.s32 @p1 $0x1  }
0x15: {  	[smem:$0x3FB9] =	sst s0;
	s0 =	simm.s32 @!p2 $0x0  }
0x16: {  	s3 =	sld [smem:$0x3FDB];
	s0 =	simm.s32 @p2 $0x1  }
0x17: {  	s4 =	simm.s32 $0x1BF5;
	[smem:$0x3FBB] =	sst s0  }
0x18: {  	s0 =	sld [smem:$0x3F9E];
	_ =	swait.ge [sflag:s4], $0x0  }
0x19: {  	s7 =	sld [smem:$0x3F9F]  }
0x1a: {  	s8 =	sadd.s32 $0xFFFFE003, lr  }
0x1b: {  	s9 =	sadd.s32 $0xFFFFFEF7, lr;
	s5 =	simm.s32 $0xFFFFFFFF;
	p2 =	slt.u32 s8, $0xFFFFF086  }
0x1c: {  	p1 =	slt.u32 s9, $0xF7A;
	s5 =	simm.s32 @!p2 $0x0  }
0x1d: {  	s5 =	simm.s32 @p1 $0x1;
	p0 =	seq.s32 s7, s2  }
0x1e: {  	s7 =	smul.u32 @!p0 $0xF7A, s2;
	p2 =	seq.s32 @!p0 s5, $0x0  }
0x1f: {  	s9 =	smul.u32 $0xF7A, s1;
	s8 =	simm.s32 @!p0 $0x1BF5;
	p2 =	por !p2, p0  }
0x20: {  	[sflag:s8] =	ssyncset.s32 @!p0 $0xFFFFF086;
	s6 =	sadd.s32 @!p0 s3, s7;
	s7 =	simm.s32 @!p0 $0x108  }
0x21: {  	s3 =	sadd.s32 s3, s9;
	s6 =	sadd.s32 @!p0 $0x88, s6;
	s7 =	simm.s32 @p2 $0x1082  }
0x22: {  	[simem:s7], [sflag:s8] =	dma.local @!p0 [hbm:s6], $0xF7A  }
0x23: {  	s9 =	sor.u32 $0xD0000000, s2;
	s6 =	simm.s32 $0x108;
	_ =	swait.ge @!p0 [sflag:s8], $0x0  }
0x24: {  	s3 =	sadd.s32 $0x88, s3;
	s6 =	simm.s32 @!p1 $0x1082;
	[sflag:s4] =	ssyncset.s32 $0xFFFFF086  }
0x25: {  	[simem:s6], [sflag:s4] =	dma.local [hbm:s3], $0xF7A  }
0x26: {  	[smem:$0x3F9F] =	sst s1;
	(tag) =	ssettag s2;
	_ =	strace s9  }
0x27: {  	s1 =	sld [smem:$0x3FAF]  }
0x28: {  	s2 =	sld [smem:$0x3FB0]  }
0x29: {  	s4 =	sld [smem:$0x3FB2]  }
0x2a: {  	p0 =	seq.s32 s5, $0x0;
	s5 =	sld [smem:$0x3FB3]  }
0x2b: {  	s6 =	sld [smem:$0x3FB4]  }
0x2c: {  	s7 =	sld [smem:$0x3FB5]  }
0x2d: {  	s3 =	simm.s32 $0x108;
	s8 =	sld [smem:$0x3FB6]  }
0x2e: {  	s3 =	simm.s32 @!p0 $0x1082;
	s9 =	sld [smem:$0x3FB7]  }
0x2f: {  	lr =	sadd.s32 s0, s3;
	s0 =	sld [smem:$0x3FAE]  }
0x30: {  	s3 =	sld [smem:$0x3FB1]  }
0x31: {  	[smem:$0x3FBA] =	sst s10  }
0x32: {  	s10 =	sld [smem:$0x3FB8];
	_ =	sdelay $0x3  }
0x33: {  	p0 =	seq.s32 s10, $0x1;
	s10 =	sld [smem:$0x3FBA];
	_ =	sdelay $0x3  }
0x34: {  	[smem:$0x3FBA] =	sst s10  }
0x35: {  	s10 =	sld [smem:$0x3FB9];
	_ =	sdelay $0x3  }
0x36: {  	p1 =	seq.s32 s10, $0x1;
	s10 =	sld [smem:$0x3FBA];
	_ =	sdelay $0x3  }
0x37: {  	[smem:$0x3FBA] =	sst s10  }
0x38: {  	s10 =	sld [smem:$0x3FBB]  }
0x39: {  	_ = 	snop;
	(pc) =	sbr.ind lr, $3  }
0x3a: {  	_ = 	snop  }
0x3b: {  	_ = 	snop  }
0x3c: {  	p2 =	seq.s32 s10, $0x1;
	s10 =	sld [smem:$0x3FBA]  }
0x3d: {  	_ =	shalt  }
0x3e: {  	_ =	shalt  }
0x3f: {  	_ =	shalt  }
0x40: {  	_ =	shalt  }
0x41: {  	_ =	shalt  }
0x42: {  	_ =	shalt  }
0x43: {  	_ =	shalt  }
0x44: {  	_ =	shalt  }
0x45: {  	_ =	shalt  }
0x46: {  	_ =	shalt  }
0x47: {  	_ =	shalt  }
0x48: {  	_ =	shalt  }
0x49: {  	_ =	shalt  }
0x4a: {  	_ =	shalt  }
0x4b: {  	_ =	shalt  }
0x4c: {  	_ =	shalt  }
0x4d: {  	_ =	shalt  }
0x4e: {  	_ =	shalt  }
0x4f: {  	_ =	shalt  }
0x50: {  	_ =	shalt  }
0x51: {  	_ =	shalt  }
0x52: {  	_ =	shalt  }
0x53: {  	_ =	shalt  }
0x54: {  	_ =	shalt  }
0x55: {  	_ =	shalt  }
0x56: {  	_ =	shalt  }
0x57: {  	_ =	shalt  }
0x58: {  	_ =	shalt  }
0x59: {  	_ =	shalt  }
0x5a: {  	_ =	shalt  }
0x5b: {  	_ =	shalt  }
0x5c: {  	_ =	shalt  }
0x5d: {  	_ =	shalt  }
0x5e: {  	_ =	shalt  }
0x5f: {  	_ =	shalt  }
0x60: {  	_ =	shalt  }
0x61: {  	_ =	shalt  }
0x62: {  	_ =	shalt  }
0x63: {  	_ =	shalt  }
0x64: {  	_ =	shalt  }
0x65: {  	_ =	shalt  }
0x66: {  	_ =	shalt  }
0x67: {  	_ =	shalt  }
0x68: {  	_ =	shalt  }
0x69: {  	_ =	shalt  }
0x6a: {  	_ =	shalt  }
0x6b: {  	_ =	shalt  }
0x6c: {  	_ =	shalt  }
0x6d: {  	_ =	shalt  }
0x6e: {  	_ =	shalt  }
0x6f: {  	_ =	shalt  }
0x70: {  	_ =	shalt  }
0x71: {  	_ =	shalt  }
0x72: {  	_ =	shalt  }
0x73: {  	_ =	shalt  }
0x74: {  	_ =	shalt  }
0x75: {  	_ =	shalt  }
0x76: {  	_ =	shalt  }
0x77: {  	_ =	shalt  }
0x78: {  	_ =	shalt  }
0x79: {  	_ =	shalt  }
0x7a: {  	_ =	shalt  }
0x7b: {  	_ =	shalt  }
0x7c: {  	_ =	shalt  }
0x7d: {  	_ =	shalt  }
0x7e: {  	_ =	shalt  }
0x7f: {  	_ =	shalt  }
0x80: {  	_ =	shalt  }
0x81: {  	_ =	shalt  }
0x82: {  	_ =	shalt  }
0x83: {  	_ =	shalt  }
0x84: {  	_ =	shalt  }
0x85: {  	_ =	shalt  }
0x86: {  	_ =	shalt  }
0x87: {  	_ =	shalt  }
.Lfunc_end0:
.L_simem_size_0:
called_computation_lowered:
.L_overlay_start_0:
0x88: {  	s2 =	sld [smem:$0x3FD9]  }
0x89: {  	s3 =	sld [smem:$0x3FFE];
	_ =	sdelay $0x1  }
0x8a: {  	s1 =	srdreg.scid  }
0x8b: {  	s0 =	sand.u32 $0x1, s1  }
0x8c: {  	s17 =	sshll.u32 s0, $0xA;
	s2 =	sadd.s32 s3, s2  }
0x8d: {  	s2 =	sadd.s32 s2, s17  }
0x8e: {  	[smem:$0x3FC6] =	sst s2  }
0x8f: {  	_ = 	snop  }
0x90: {  	s2 =	sld [smem:$0x3FC9]  }
0x91: {  	s18 =	sld [smem:$0x3FC8];
	(tm) =	ssettm $0x1  }
0x92: {  	s4 =	sld [smem:$0x3FFB];
	_ =	sdelay $0x3  }
0x93: {  	_ =	strace s4  }
0x94: {  	s4 =	sld [smem:$0x3FFC];
	_ =	sdelay $0x3  }
0x95: {  	_ =	strace s4  }
0x96: {  	s4 =	sld [smem:$0x3FFD];
	_ =	sdelay $0x3  }
0x97: {  	_ =	strace s4  }
0x98: {  	_ =	strace $0x8FFFFFFF  }
0x99: {  	s19 =	sld [smem:$0x3FDB];
	_ =	sdelay $0x1  }
0x9a: {  	s5 =	simm.s32 $_scs_section_size  }
0x9b: {  	s6 =	simm.s32 $_size__tile_overlayer_lowered;
	s7 =	simm.s32 $_tile_overlayer_lowered  }
0x9c: {  	s22 =	simm.s32 $0x1BFF;
	s21 =	sshll.u32 s7, $0x1;
	s4 =	sadd.s32 s5, s19  }
0x9d: {  	s8 =	simm.s32 $0x0;
	s20 =	sshll.u32 s6, $0x1;
	s6 =	sadd.s32 s21, s4  }
0x9e: {  	[timem:s8], [sflag:s22] =	dma.local [hbm:s6], s20  }
0x9f: {  	_ =	swait.ge [sflag:s22], s20  }
0xa0: {  	s5 =	ssub.s32 $0x0, s20;
	[sflag:s22] =	ssyncset.done $0x0  }
0xa1: {  	[sflag:s22] =	ssyncadd.s32 s5;
	_ =	sdelay $0x1  }
0xa2: {  	s23 =	simm.s32 $0x1B8B  }
0xa3: {  	_ =	swait.ge [sflag:s23], $0x1  }
0xa4: {  	[sflag:s23] =	ssyncset.done $0x0  }
0xa5: {  	s25 =	simm.s32 $0x1B8E;
	s24 =	sld [smem:$0x3FFE];
	[sflag:s23] =	ssyncadd.s32 $0xFFFFFFFF  }
0xa6: {  	s26 =	simm.s32 $execute0_lowered;
	[smem:$0x3FD2] =	sst s25  }
0xa7: {  	s6 =	sshll.u32 s26, $0x1;
	_ =	strace $0x80000046;
	[dreg:$0x1] =	wrdreg $0xFFFFFFFF  }
0xa8: {  	s28 =	simm.s32 $_size_execute0_lowered;
	s4 =	sadd.s32 s4, s6;
	[dreg:$0x0] =	wrdreg $0x0  }
0xa9: {  	s6 =	sshll.u32 s28, $0x1;
	[dreg:$0x2] =	wrdreg s4  }
0xaa: {  	[dreg:$0x3] =	wrdreg s6  }
0xab: {  	[dreg:$0x4] =	wrdreg $0xC0  }
0xac: {  	_ =	task [dreg:s8], $0x5FFFF  }
0xad: {  	[dreg:$0x1] =	wrdreg $0xFFFFFFFF  }
0xae: {  	[dreg:$0x0] =	wrdreg $0x60  }
0xaf: {  	[dreg:$0x2] =	wrdreg s2  }
0xb0: {  	[dreg:$0x3] =	wrdreg s18  }
0xb1: {  	[dreg:$0x4] =	wrdreg s24  }
0xb2: {  	[dreg:$0x5] =	wrdreg $0x9  }
0xb3: {  	_ =	task.clear_ibuf [dreg:s8], $0x6FFFF;
	_ =	strace $0x90000046  }
0xb4: {  	s29 =	simm.s32 $0x9;
	_ =	strace $0x80000048  }
0xb5: {  	_ =	swait.ge [sflag:s29], $0x1  }
0xb6: {  	[sflag:s29] =	ssyncadd.s32 $0xFFFFFFFF  }
0xb7: {  	_ =	strace $0x90000048  }
0xb8: {  	_ =	sfence  }
0xb9: {  	s30 =	sld [smem:$0x0];
	_ =	sdelay $0x2  }
0xba: {  	s31 =	sshll.u32 s1, $0xD;
	s1 =	sshrl.u32 s1, $0x2  }
0xbb: {  	s3 =	sand.u32 $0x4000, s31;
	s1 =	sadd.s32 s1, s30  }
0xbc: {  	s0 =	sor.u32 s3, s0;
	s1 =	sshll.u32 s1, $0x11  }
0xbd: {  	s0 =	sor.u32 s1, s0  }
0xbe: {  	s0 =	sadd.s32 $0x8F2B, s0  }
0xbf: {  	[sflag:s0] =	ssyncadd.remote.s32 $0x1  }
0xc0: {  	_ =	sfence.sel $0xFFFF  }
0xc1: {  	[dreg:$0x0] =	wrdreg $0xFFFFFFFF;
	(pc) =	sbr.abs _section_cstart, $3  }
0xc2: {  	[dreg:$0x1] =	wrdreg $0xFFFFFFFF  }
0xc3: {  	_ =	task.clear_ibuf [dreg:s8], $0x2FFFF;
	_ =	strace $0x9FFFFFFF  }
0xc4: {  	(tm) =	ssettm $0x7FFFFFFF  }
0xc5: {  	_ =	shalt  }
tec
execute0_lowered:
.L_overlay_start_1:
0x0: {  	(tag) =	ssettag $0x1  }
0x1: {  	s3 =	rddreg [dreg:$0x0]  }
0x2: {  	s4 =	rddreg [dreg:$0x1]  }
0x3: {  	s5 =	rddreg [dreg:$0x2]  }
0x4: {  	s0 =	rddreg [dreg:$0x3];
	s6 =	srdreg.scid  }
0x5: {  	s1 =	stileid.u32;
	s2 =	simm.s32 $0x0;
	s10 =	simm.s32 $0x2  }
0x6: {  	s11 =	simm.s32 $0x80;
	s12 =	simm.s32 $0x1000;
	s13 =	simm.s32 $0x8000  }
0x7: {  	s14 =	simm.s32 $0x3;
	s6 =	sand.u32 $0x1, s6;
	s7 =	sshll.u32 s1, $0x1  }
0x8: {  	s15 =	simm.s32 $0x0;
	[smem:$0x7FF] =	sst s2;
	s7 =	sor.u32 s6, s7  }
0x9: {  	_ =	strace $0x80000047;
	s6 =	ssub.s32 $0x2, s6;
	s8 =	sshll.u32 s7, $0x4  }
0xa: {  	s31 =	sshrl.u32 s6, $0x1;
	s9 =	sshll.u32 s7, $0xB;
	s7 =	sshll.u32 s7, $0x3  }
0xb: {  	s5 =	sadd.s32 s8, s5;
	s6 =	ssub.s32 s6, s31;
	s3 =	sadd.s32 s3, s9  }
0xc: {  	s4 =	sadd.s32 s4, s9;
	s7 =	sor.u32 $0xFFFFFC00, s7;
	s8 =	simm.s32 $0x4000  }
0xd: {  	v0 =	vimm.f32 $0.0e+00;
	s9 =	simm.s32 $0x1;
	s5 =	sadd.s32 $0x800, s5;
	s6 =	smax.u32 s6, $0x1  }
.LBB2_1:
0xe: {  	[tilespmem:s2], [sflag:$0x1] =	stream.linear.gather [hbm4b:s3+s2], $0x4000, $0x38;
	[tilespmem:$0x8200] =	vst v63  }
0xf: {  	_ = 	snop  }
0x10: {  	[tilespmem:s8], [sflag:$0x2] =	stream.linear.gather [hbm4b:s4+s2], $0x4000, $0x38;
	[tilespmem:$0x8200] =	vst v63  }
0x11: {  	_ =	swait.ge [sflag:s9], $0x4000  }
0x12: {  	[sflag:s9] =	ssyncset.done $0x0  }
0x13: {  	s16 =	simm.s32 $0x40;
	v1 =	vimm.f32 $0.0e+00;
	v2 =	vimm.f32 $0.0e+00;
	s17 =	simm.s32 $0x0;
	[sflag:s9] =	ssyncadd.s32 $0xFFFFC000  }
.LBB2_2:
0x14: {  	v4 =	vmov s16;
	_ =	sdelay $0x3  }
0x15: {  	s18 =	simm.s32 $0x0  }
0x16: {  	v3 =	vld.idx.msk [tilespmem:v4+s18+$0x30 ss:$0x1], $0xffff  }
0x17: {  	v6 =	vld.idx.msk [tilespmem:v4+s18+$0xFFFFFFC0 ss:$0x1], $0xffff  }
0x18: {  	v7 =	vld.idx.msk [tilespmem:v4+s18+$0xFFFFFFD0 ss:$0x1], $0xffff  }
0x19: {  	v8 =	vld.idx.msk [tilespmem:v4+s18+$0xFFFFFFE0 ss:$0x1], $0xffff  }
0x1a: {  	v9 =	vld.idx.msk [tilespmem:v4+s18+$0xFFFFFFF0 ss:$0x1], $0xffff  }
0x1b: {  	v10 =	vld.idx.msk [tilespmem:v4+s18+$0x0 ss:$0x1], $0xffff;
	_ =	sdelay $0x1  }
0x1c: {  	v5 =	vimm.f32 $0.0e+00;
	vm0 =	vlt.f32 v3, $0.0e+00;
	vm1 =	vgt.f32 v3, $0.0e+00  }
0x1d: {  	v11 =	vld.idx.msk [tilespmem:v4+s18+$0x10 ss:$0x1], $0xffff;
	vm2 =	vlt.f32 v6, $0.0e+00;
	vm3 =	vgt.f32 v6, $0.0e+00;
	vm4 =	vgt.f32 v7, $0.0e+00  }
0x1e: {  	vm6 =	vlt.f32 v8, $0.0e+00;
	vm7 =	vgt.f32 v8, $0.0e+00;
	vm8 =	vgt.f32 v9, $0.0e+00  }
0x1f: {  	vm5 =	vgt.f32 v10, $0.0e+00;
	v8 =	vimm.f32 $0.0e+00;
	vm0 =	vmor vm1, vm0  }
0x20: {  	v6 =	vld.idx.msk [tilespmem:v4+s18+$0x20 ss:$0x1], $0xffff;
	vm1 =	vlt.f32 v7, $0.0e+00;
	v7 =	vimm.f32 $0.0e+00;
	v3 =	vsel vm0, $0x3F800000, v0  }
0x21: {  	vm0 =	vmor vm3, vm2;
	vm3 =	vlt.f32 v9, $0.0e+00;
	vm1 =	vmor vm4, vm1  }
0x22: {  	vm4 =	vlt.f32 v10, $0.0e+00;
	vm2 =	vmor vm7, vm6;
	vm6 =	vlt.f32 v11, $0.0e+00  }
0x23: {  	vm7 =	vgt.f32 v11, $0.0e+00;
	v11 =	vimm.f32 $0.0e+00;
	v9 =	vimm.f32 $0.0e+00  }
0x24: {  	v10 =	vimm.f32 $0.0e+00;
	v3 =	vadd.f32 v3, v5;
	vm3 =	vmor vm8, vm3  }
0x25: {  	s19 =	simm.s32 $0x2000;
	s18 =	simm.s32 $0x400;
	vm8 =	vlt.f32 v6, $0.0e+00;
	vm9 =	vgt.f32 v6, $0.0e+00;
	v6 =	vimm.f32 $0.0e+00  }
.LBB2_3:
0x26: {  	p0 =	sne.s32 s19, $0xF000;
	v12 =	vld.idx.msk [tilespmem:v4+s18+$0x30 ss:$0x1], $0xffff;
	vm4 =	vmor vm5, vm4;
	vm5 =	vmor vm7, vm6;
	vm6 =	vmor vm9, vm8  }
0x27: {  	v14 =	vsel vm0, $0x3F800000, v0;
	v15 =	vsel vm1, $0x3F800000, v0;
	v16 =	vsel vm2, $0x3F800000, v0;
	v13 =	vld.idx.msk [tilespmem:v4+s18+$0xFFFFFFC0 ss:$0x1], $0xffff  }
0x28: {  	v18 =	vsel vm3, $0x3F800000, v0;
	v19 =	vsel vm4, $0x3F800000, v0;
	v20 =	vsel vm5, $0x3F800000, v0;
	v17 =	vld.idx.msk [tilespmem:v4+s18+$0xFFFFFFD0 ss:$0x1], $0xffff  }
0x29: {  	v5 =	vadd.f32 v14, v5;
	v7 =	vadd.f32 v15, v7;
	v14 =	vsel vm6, $0x3F800000, v0;
	v21 =	vld.idx.msk [tilespmem:v4+s18+$0xFFFFFFE0 ss:$0x1], $0xffff  }
0x2a: {  	v8 =	vadd.f32 v16, v8;
	v6 =	vadd.f32 v18, v6;
	v15 =	vld.idx.msk [tilespmem:v4+s18+$0xFFFFFFF0 ss:$0x1], $0xffff  }
0x2b: {  	v11 =	vadd.f32 v19, v11;
	v9 =	vadd.f32 v20, v9;
	v16 =	vld.idx.msk [tilespmem:v4+s18+$0x0 ss:$0x1], $0xffff  }
0x2c: {  	v10 =	vadd.f32 v14, v10;
	vm0 =	vlt.f32 v12, $0.0e+00;
	vm1 =	vgt.f32 v12, $0.0e+00;
	v18 =	vld.idx.msk [tilespmem:v4+s18+$0x10 ss:$0x1], $0xffff  }
0x2d: {  	vm2 =	vlt.f32 v13, $0.0e+00;
	vm3 =	vgt.f32 v13, $0.0e+00;
	vm0 =	vmor vm1, vm0;
	v12 =	vld.idx.msk [tilespmem:v4+s18+$0x20 ss:$0x1], $0xffff  }
0x2e: {  	vm1 =	vlt.f32 v17, $0.0e+00;
	vm4 =	vgt.f32 v17, $0.0e+00;
	v13 =	vsel vm0, $0x3F800000, v0  }
.Ltmp0:
0x2f: {  	vm6 =	vlt.f32 v21, $0.0e+00;
	vm7 =	vgt.f32 v21, $0.0e+00;
	v3 =	vadd.f32 v13, v3;
	(pc) =	sbr.rel @p0 .LBB2_3-.Ltmp0, $4  }
0x30: {  	vm0 =	vmor vm3, vm2;
	vm3 =	vlt.f32 v15, $0.0e+00;
	vm8 =	vgt.f32 v15, $0.0e+00  }
0x31: {  	vm1 =	vmor vm4, vm1;
	vm4 =	vlt.f32 v16, $0.0e+00;
	vm5 =	vgt.f32 v16, $0.0e+00  }
0x32: {  	vm2 =	vmor vm7, vm6;
	vm6 =	vlt.f32 v18, $0.0e+00;
	vm7 =	vgt.f32 v18, $0.0e+00  }
0x33: {  	s18 =	sshra.s32 s19, $0x2;
	s19 =	sadd.s32 $0x1000, s19;
	vm3 =	vmor vm8, vm3;
	vm8 =	vlt.f32 v12, $0.0e+00;
	vm9 =	vgt.f32 v12, $0.0e+00  }
0x34: {  	_ =	sdelay $0x3  }
0x35: {  	vm4 =	vmor vm5, vm4;
	vm11 =	vmor vm7, vm6;
	vm12 =	vmor vm9, vm8;
	v12 =	vld.idx.msk [tilespmem:v4+s18+$0xFFFFFFC0 ss:$0x1], $0xffff  }
0x36: {  	v13 =	vsel vm0, $0x3F800000, v0;
	v14 =	vsel vm1, $0x3F800000, v0;
	v15 =	vsel vm2, $0x3F800000, v0;
	v16 =	vld.idx.msk [tilespmem:v4+s18+$0xFFFFFFD0 ss:$0x1], $0xffff  }
0x37: {  	v17 =	vsel vm3, $0x3F800000, v0;
	v19 =	vld.idx.msk [tilespmem:v4+s18+$0xFFFFFFE0 ss:$0x1], $0xffff;
	v18 =	vsel vm4, $0x3F800000, v0;
	v5 =	vadd.f32 v13, v5  }
0x38: {  	v49 =	vsel vm11, $0x3F800000, v0;
	v7 =	vadd.f32 v14, v7;
	v8 =	vadd.f32 v15, v8  }
0x39: {  	v50 =	vsel vm12, $0x3F800000, v0;
	v6 =	vadd.f32 v17, v6;
	v11 =	vadd.f32 v18, v11  }
0x3a: {  	v51 =	vld.idx.msk [tilespmem:v4+s18+$0xFFFFFFF0 ss:$0x1], $0xffff;
	v9 =	vadd.f32 v49, v9;
	v10 =	vadd.f32 v50, v10;
	vm13 =	vlt.f32 v12, $0.0e+00  }
0x3b: {  	vm14 =	vgt.f32 v12, $0.0e+00;
	vm15 =	vlt.f32 v16, $0.0e+00;
	vm8 =	vgt.f32 v16, $0.0e+00  }
0x3c: {  	v52 =	vld.idx.msk [tilespmem:v4+s18+$0x0 ss:$0x1], $0xffff;
	vm9 =	vlt.f32 v19, $0.0e+00;
	vm0 =	vmor vm14, vm13;
	vm10 =	vmor vm8, vm15  }
0x3d: {  	vm11 =	vgt.f32 v19, $0.0e+00;
	v53 =	vsel vm0, $0x3F800000, v0;
	v54 =	vsel vm10, $0x3F800000, v0  }
0x3e: {  	v55 =	vld.idx.msk [tilespmem:v4+s18+$0x10 ss:$0x1], $0xffff;
	vm12 =	vmor vm11, vm9;
	v5 =	vadd.f32 v53, v5;
	v7 =	vadd.f32 v54, v7  }
0x3f: {  	vm13 =	vlt.f32 v51, $0.0e+00;
	vm14 =	vgt.f32 v51, $0.0e+00;
	v56 =	vsel vm12, $0x3F800000, v0  }
0x40: {  	v57 =	vld.idx.msk [tilespmem:v4+s18+$0x20 ss:$0x1], $0xffff;
	vm15 =	vmor vm14, vm13;
	v8 =	vadd.f32 v56, v8;
	v5 =	vadd.f32 v7, v5  }
0x41: {  	vm4 =	vlt.f32 v52, $0.0e+00;
	vm5 =	vgt.f32 v52, $0.0e+00;
	v58 =	vsel vm15, $0x3F800000, v0  }
0x42: {  	v59 =	vld.idx.msk [tilespmem:v4+s18+$0x30 ss:$0x1], $0xffff;
	vm6 =	vmor vm5, vm4;
	v6 =	vadd.f32 v58, v6;
	v5 =	vadd.f32 v8, v5  }
0x43: {  	vm7 =	vlt.f32 v55, $0.0e+00;
	vm8 =	vgt.f32 v55, $0.0e+00;
	v60 =	vsel vm6, $0x3F800000, v0  }
0x44: {  	vm9 =	vmor vm8, vm7;
	v7 =	vadd.f32 v60, v11;
	v5 =	vadd.f32 v6, v5  }
0x45: {  	vm11 =	vgt.f32 v57, $0.0e+00;
	vm10 =	vlt.f32 v57, $0.0e+00;
	v61 =	vsel vm9, $0x3F800000, v0  }
0x46: {  	vm12 =	vmor vm11, vm10;
	v6 =	vadd.f32 v61, v9;
	v5 =	vadd.f32 v7, v5  }
0x47: {  	vm13 =	vlt.f32 v59, $0.0e+00;
	vm14 =	vgt.f32 v59, $0.0e+00;
	v62 =	vsel vm12, $0x3F800000, v0  }
0x48: {  	vm15 =	vmor vm14, vm13;
	v4 =	vadd.f32 v62, v10;
	v5 =	vadd.f32 v6, v5  }
0x49: {  	v63 =	vsel vm15, $0x3F800000, v0  }
0x4a: {  	s31 =	sor.u32 s7, s17;
	s17 =	sadd.s32 $0x1, s17;
	v3 =	vadd.f32 v63, v3;
	v4 =	vadd.f32 v4, v5  }
0x4b: {  	p0 =	sne.s32 s17, $0x8  }
.Ltmp1:
0x4c: {  	s18 =	scvt.s32.f32 s31;
	v3 =	vadd.f32 v3, v4;
	(pc) =	sbr.rel @p0 .LBB2_2-.Ltmp1, $3  }
0x4d: {  	_ = 	snop  }
0x4e: {  	v4 =	vmul.f32 s18, v3;
	_ =	sdelay $0x1  }
0x4f: {  	s16 =	sadd.s32 $0x80, s16;
	v2 =	vadd.f32 v3, v2;
	v1 =	vadd.f32 v4, v1  }
0x50: {  	_ =	swait.ge [sflag:s10], $0x4000  }
0x51: {  	[sflag:s10] =	ssyncset.done $0x0  }
0x52: {  	s16 =	simm.s32 $0x0;
	v5 =	vimm.f32 $0.0e+00;
	s17 =	simm.s32 $0x4040;
	v3 =	vimm.f32 $0.0e+00;
	v4 =	vimm.f32 $0.0e+00;
	[sflag:s10] =	ssyncadd.s32 $0xFFFFC000  }
.LBB2_6:
0x53: {  	v7 =	vmov s17;
	_ =	sdelay $0x3  }
0x54: {  	s18 =	simm.s32 $0x0  }
0x55: {  	v6 =	vld.idx.msk [tilespmem:v7+s18+$0x30 ss:$0x1], $0xffff  }
0x56: {  	v8 =	vld.idx.msk [tilespmem:v7+s18+$0xFFFFFFC0 ss:$0x1], $0xffff  }
0x57: {  	v9 =	vld.idx.msk [tilespmem:v7+s18+$0xFFFFFFD0 ss:$0x1], $0xffff  }
0x58: {  	v10 =	vld.idx.msk [tilespmem:v7+s18+$0xFFFFFFE0 ss:$0x1], $0xffff  }
0x59: {  	v11 =	vld.idx.msk [tilespmem:v7+s18+$0xFFFFFFF0 ss:$0x1], $0xffff  }
0x5a: {  	v12 =	vld.idx.msk [tilespmem:v7+s18+$0x0 ss:$0x1], $0xffff;
	_ =	sdelay $0x1  }
0x5b: {  	v14 =	vimm.f32 $0.0e+00;
	vm0 =	vlt.f32 v6, $0.0e+00;
	vm1 =	vgt.f32 v6, $0.0e+00  }
0x5c: {  	v13 =	vld.idx.msk [tilespmem:v7+s18+$0x10 ss:$0x1], $0xffff;
	vm2 =	vlt.f32 v8, $0.0e+00;
	vm3 =	vgt.f32 v8, $0.0e+00;
	vm4 =	vgt.f32 v9, $0.0e+00  }
0x5d: {  	vm6 =	vlt.f32 v10, $0.0e+00;
	vm7 =	vgt.f32 v10, $0.0e+00;
	vm8 =	vgt.f32 v11, $0.0e+00  }
0x5e: {  	vm5 =	vgt.f32 v12, $0.0e+00;
	v10 =	vimm.f32 $0.0e+00;
	vm0 =	vmor vm1, vm0  }
0x5f: {  	v8 =	vld.idx.msk [tilespmem:v7+s18+$0x20 ss:$0x1], $0xffff;
	vm1 =	vlt.f32 v9, $0.0e+00;
	v9 =	vimm.f32 $0.0e+00;
	v6 =	vsel vm0, $0x3F800000, v0  }
0x60: {  	vm0 =	vmor vm3, vm2;
	vm3 =	vlt.f32 v11, $0.0e+00;
	vm1 =	vmor vm4, vm1  }
0x61: {  	vm4 =	vlt.f32 v12, $0.0e+00;
	vm2 =	vmor vm7, vm6;
	vm6 =	vlt.f32 v13, $0.0e+00  }
0x62: {  	vm7 =	vgt.f32 v13, $0.0e+00;
	v13 =	vimm.f32 $0.0e+00;
	v11 =	vimm.f32 $0.0e+00  }
0x63: {  	v12 =	vimm.f32 $0.0e+00;
	v6 =	vadd.f32 v6, v5;
	vm3 =	vmor vm8, vm3  }
0x64: {  	s19 =	simm.s32 $0x2000;
	s18 =	simm.s32 $0x400;
	vm8 =	vlt.f32 v8, $0.0e+00;
	vm9 =	vgt.f32 v8, $0.0e+00;
	v8 =	vimm.f32 $0.0e+00  }
.LBB2_7:
0x65: {  	p0 =	sne.s32 s19, $0xF000;
	v15 =	vld.idx.msk [tilespmem:v7+s18+$0x30 ss:$0x1], $0xffff;
	vm4 =	vmor vm5, vm4;
	vm5 =	vmor vm7, vm6;
	vm6 =	vmor vm9, vm8  }
0x66: {  	v17 =	vsel vm0, $0x3F800000, v0;
	v18 =	vsel vm1, $0x3F800000, v0;
	v19 =	vsel vm2, $0x3F800000, v0;
	v16 =	vld.idx.msk [tilespmem:v7+s18+$0xFFFFFFC0 ss:$0x1], $0xffff  }
0x67: {  	v21 =	vsel vm3, $0x3F800000, v0;
	v22 =	vsel vm4, $0x3F800000, v0;
	v23 =	vsel vm5, $0x3F800000, v0;
	v20 =	vld.idx.msk [tilespmem:v7+s18+$0xFFFFFFD0 ss:$0x1], $0xffff  }
0x68: {  	v13 =	vadd.f32 v17, v13;
	v9 =	vadd.f32 v18, v9;
	v17 =	vsel vm6, $0x3F800000, v0;
	v24 =	vld.idx.msk [tilespmem:v7+s18+$0xFFFFFFE0 ss:$0x1], $0xffff  }
0x69: {  	v10 =	vadd.f32 v19, v10;
	v8 =	vadd.f32 v21, v8;
	v18 =	vld.idx.msk [tilespmem:v7+s18+$0xFFFFFFF0 ss:$0x1], $0xffff  }
0x6a: {  	v14 =	vadd.f32 v22, v14;
	v11 =	vadd.f32 v23, v11;
	v19 =	vld.idx.msk [tilespmem:v7+s18+$0x0 ss:$0x1], $0xffff  }
0x6b: {  	v12 =	vadd.f32 v17, v12;
	vm0 =	vlt.f32 v15, $0.0e+00;
	vm1 =	vgt.f32 v15, $0.0e+00;
	v21 =	vld.idx.msk [tilespmem:v7+s18+$0x10 ss:$0x1], $0xffff  }
0x6c: {  	vm2 =	vlt.f32 v16, $0.0e+00;
	vm3 =	vgt.f32 v16, $0.0e+00;
	vm0 =	vmor vm1, vm0;
	v15 =	vld.idx.msk [tilespmem:v7+s18+$0x20 ss:$0x1], $0xffff  }
0x6d: {  	vm1 =	vlt.f32 v20, $0.0e+00;
	vm4 =	vgt.f32 v20, $0.0e+00;
	v16 =	vsel vm0, $0x3F800000, v0  }
.Ltmp2:
0x6e: {  	vm6 =	vlt.f32 v24, $0.0e+00;
	vm7 =	vgt.f32 v24, $0.0e+00;
	v6 =	vadd.f32 v16, v6;
	(pc) =	sbr.rel @p0 .LBB2_7-.Ltmp2, $4  }
0x6f: {  	vm0 =	vmor vm3, vm2;
	vm3 =	vlt.f32 v18, $0.0e+00;
	vm8 =	vgt.f32 v18, $0.0e+00  }
0x70: {  	vm1 =	vmor vm4, vm1;
	vm4 =	vlt.f32 v19, $0.0e+00;
	vm5 =	vgt.f32 v19, $0.0e+00  }
0x71: {  	vm2 =	vmor vm7, vm6;
	vm6 =	vlt.f32 v21, $0.0e+00;
	vm7 =	vgt.f32 v21, $0.0e+00  }
0x72: {  	s18 =	sshra.s32 s19, $0x2;
	s19 =	sadd.s32 $0x1000, s19;
	vm3 =	vmor vm8, vm3;
	vm8 =	vlt.f32 v15, $0.0e+00;
	vm9 =	vgt.f32 v15, $0.0e+00  }
0x73: {  	_ =	sdelay $0x3  }
0x74: {  	vm4 =	vmor vm5, vm4;
	vm11 =	vmor vm7, vm6;
	vm12 =	vmor vm9, vm8;
	v15 =	vld.idx.msk [tilespmem:v7+s18+$0xFFFFFFC0 ss:$0x1], $0xffff  }
0x75: {  	v16 =	vsel vm0, $0x3F800000, v0;
	v17 =	vsel vm1, $0x3F800000, v0;
	v18 =	vsel vm2, $0x3F800000, v0;
	v19 =	vld.idx.msk [tilespmem:v7+s18+$0xFFFFFFD0 ss:$0x1], $0xffff  }
0x76: {  	v20 =	vsel vm3, $0x3F800000, v0;
	v22 =	vld.idx.msk [tilespmem:v7+s18+$0xFFFFFFE0 ss:$0x1], $0xffff;
	v21 =	vsel vm4, $0x3F800000, v0;
	v13 =	vadd.f32 v16, v13  }
0x77: {  	v51 =	vsel vm11, $0x3F800000, v0;
	v9 =	vadd.f32 v17, v9;
	v10 =	vadd.f32 v18, v10  }
0x78: {  	v52 =	vsel vm12, $0x3F800000, v0;
	v8 =	vadd.f32 v20, v8;
	v14 =	vadd.f32 v21, v14  }
0x79: {  	v53 =	vld.idx.msk [tilespmem:v7+s18+$0xFFFFFFF0 ss:$0x1], $0xffff;
	v11 =	vadd.f32 v51, v11;
	v12 =	vadd.f32 v52, v12;
	vm13 =	vlt.f32 v15, $0.0e+00  }
0x7a: {  	vm14 =	vgt.f32 v15, $0.0e+00;
	vm15 =	vlt.f32 v19, $0.0e+00;
	vm8 =	vgt.f32 v19, $0.0e+00  }
0x7b: {  	v54 =	vld.idx.msk [tilespmem:v7+s18+$0x0 ss:$0x1], $0xffff;
	vm9 =	vlt.f32 v22, $0.0e+00;
	vm0 =	vmor vm14, vm13;
	vm10 =	vmor vm8, vm15  }
0x7c: {  	vm11 =	vgt.f32 v22, $0.0e+00;
	v55 =	vsel vm0, $0x3F800000, v0;
	v56 =	vsel vm10, $0x3F800000, v0  }
0x7d: {  	v57 =	vld.idx.msk [tilespmem:v7+s18+$0x10 ss:$0x1], $0xffff;
	vm12 =	vmor vm11, vm9;
	v13 =	vadd.f32 v55, v13;
	v9 =	vadd.f32 v56, v9  }
0x7e: {  	vm13 =	vlt.f32 v53, $0.0e+00;
	vm14 =	vgt.f32 v53, $0.0e+00;
	v58 =	vsel vm12, $0x3F800000, v0  }
0x7f: {  	v59 =	vld.idx.msk [tilespmem:v7+s18+$0x20 ss:$0x1], $0xffff;
	vm15 =	vmor vm14, vm13;
	v10 =	vadd.f32 v58, v10;
	v9 =	vadd.f32 v9, v13  }
0x80: {  	vm4 =	vlt.f32 v54, $0.0e+00;
	vm5 =	vgt.f32 v54, $0.0e+00;
	v60 =	vsel vm15, $0x3F800000, v0  }
0x81: {  	v7 =	vld.idx.msk [tilespmem:v7+s18+$0x30 ss:$0x1], $0xffff;
	vm6 =	vmor vm5, vm4;
	v8 =	vadd.f32 v60, v8;
	v9 =	vadd.f32 v10, v9  }
0x82: {  	vm7 =	vlt.f32 v57, $0.0e+00;
	vm8 =	vgt.f32 v57, $0.0e+00;
	v61 =	vsel vm6, $0x3F800000, v0  }
0x83: {  	vm9 =	vmor vm8, vm7;
	v10 =	vadd.f32 v61, v14;
	v8 =	vadd.f32 v8, v9  }
0x84: {  	vm11 =	vgt.f32 v59, $0.0e+00;
	vm10 =	vlt.f32 v59, $0.0e+00;
	v62 =	vsel vm9, $0x3F800000, v0  }
0x85: {  	vm12 =	vmor vm11, vm10;
	v9 =	vadd.f32 v62, v11;
	v8 =	vadd.f32 v10, v8  }
0x86: {  	vm13 =	vlt.f32 v7, $0.0e+00;
	vm14 =	vgt.f32 v7, $0.0e+00;
	v7 =	vsel vm12, $0x3F800000, v0  }
0x87: {  	vm15 =	vmor vm14, vm13;
	v7 =	vadd.f32 v7, v12;
	v8 =	vadd.f32 v9, v8  }
0x88: {  	v63 =	vsel vm15, $0x3F800000, v0  }
0x89: {  	s31 =	sor.u32 s7, s16;
	s16 =	sadd.s32 $0x1, s16;
	v6 =	vadd.f32 v63, v6;
	v7 =	vadd.f32 v7, v8  }
0x8a: {  	p0 =	sne.s32 s16, $0x8  }
.Ltmp3:
0x8b: {  	s18 =	scvt.s32.f32 s31;
	v6 =	vadd.f32 v6, v7;
	(pc) =	sbr.rel @p0 .LBB2_6-.Ltmp3, $3  }
0x8c: {  	_ = 	snop  }
0x8d: {  	v7 =	vmul.f32 s18, v6;
	_ =	sdelay $0x1  }
0x8e: {  	s17 =	sadd.s32 $0x80, s17;
	v4 =	vadd.f32 v6, v4;
	v3 =	vadd.f32 v7, v3  }
0x8f: {  	[tilespmem:$0x8000] =	vst v2  }
0x90: {  	[tilespmem:$0x8080] =	vst v1;
	s15 =	sadd.s32 $0x1, s15  }
0x91: {  	[tilespmem:$0x8100] =	vst v4;
	p0 =	sne.s32 s15, s6  }
.Ltmp4:
0x92: {  	[tilespmem:$0x8180] =	vst v3;
	(pc) =	sbr.rel @p0 .LBB2_1-.Ltmp4, $4  }
0x93: {  	[hbm4b:s5+s11] =	stream.strided.scatter [tilespmem:s13], [sflag:$0x3], $0x200, s12, s11, $0x38;
	[tilespmem:$0x8200] =	vst v63  }
0x94: {  	_ =	swait.ge [sflag:s14], $0x200  }
0x95: {  	[sflag:s14] =	ssyncset.done $0x0  }
0x96: {  	[sflag:s14] =	ssyncadd.s32 $0xFFFFFE00  }
0x97: {  	_ =	sfence.sel $0x180000  }
0x98: {  	[bflag:$0x0] =	sbarrier.arrive $0xFFFF  }
0x99: {  	p0 =	sne.s32 s1, $0x0;
	_ =	strace $0x90000047  }
0x9a: {  	s0 =	sadd.s32 @!p0 $0x100000, s0;
	[bflag:$0x2] =	sbarrier.arrive $0xFFFF  }
0x9b: {  	[sflag:s0] =	ssyncadd.tile.s32 @!p0 $0x1;
	_ =	shalt  }
.Lfunc_end2:
_tile_overlayer_lowered:
.L_overlay_start_2:
0x9c: {  	(tag) =	ssettag $0x2  }
0x9d: {  	s0 =	rddreg [dreg:$0x0];
	s2 =	stileid.u32  }
0x9e: {  	s1 =	rddreg [dreg:$0x1];
	p0 =	sne.s32 s2, $0x0  }
0x9f: {  	s3 =	rddreg [dreg:$0x2];
	[bflag:$0x3] =	sbarrier.arrive $0xFFFF;
	s2 =	simm.s32 @!p0 $0x1C03  }
0xa0: {  	[timem:s3], [sflag:s2] =	dma.local @!p0 [hbm:s0], s1  }
0xa1: {  	s0 =	simm.s32 @!p0 $0x3  }
0xa2: {  	_ =	swait.ge @!p0 [sflag:s0], s1  }
0xa3: {  	s1 =	ssub.s32 @!p0 $0x0, s1;
	[sflag:s0] =	ssyncset.done @!p0 $0x0  }
0xa4: {  	[sflag:s0] =	ssyncadd.s32 @!p0 s1  }
0xa5: {  	[bflag:$0x3] =	sbarrier.arrive $0xFFFF  }
0xa6: {  	_ =	shalt  }

</sc_bundles>
